<compile_context>
chip_gen: v7x
topology: tpu7x:2x2x1
jax: 0.10.2.dev20260603
libtpu: 0.0.44.dev20260713+nightly
codegen_flags: <defaults>
</compile_context>

<pallas_src>
import jax
import jax.numpy as jnp
from jax import lax
from jax.experimental import pallas as pl
from jax.experimental.pallas import tpu as pltpu
from jax.experimental.pallas import tpu_sc as plsc

_H = 64
_W = 64
_N = 4096
_ZLO = -32.0
_SCALE = 1.0 / 64.0
_BI = 1024


def _nn_mean_kernel(p_ref, mean_ref):
    i = pl.program_id(0)

    @pl.when(i == 0)
    def _():
        mean_ref[0, 0] = 0.0

    pi = p_ref[pl.ds(i * _BI, _BI), :]
    sqi = jnp.sum(pi * pi, axis=1, keepdims=True)
    row_ids = i * _BI + lax.broadcasted_iota(jnp.int32, (_BI, _BI), 0)

    def body(j, carry):
        pj = p_ref[pl.ds(j * _BI, _BI), :]
        sqj = jnp.sum(pj * pj, axis=1, keepdims=True)
        g = lax.dot_general(pi, pj, (((1,), (1,)), ((), ())),
                            preferred_element_type=jnp.float32)
        d2 = (sqi + sqj.T) - 2.0 * g
        d2 = jnp.maximum(d2, 0.0)
        col_ids = j * _BI + lax.broadcasted_iota(jnp.int32, (_BI, _BI), 1)
        d2 = jnp.where(row_ids == col_ids, jnp.inf, d2)
        return jnp.minimum(carry, jnp.min(d2, axis=1, keepdims=True))

    mind2 = lax.fori_loop(0, _N // _BI, body,
                          jnp.full((_BI, 1), jnp.inf, jnp.float32))
    nn = jnp.sqrt(mind2)
    mean_ref[0, 0] += jnp.sum(nn) * (1.0 / _N)


def _vgather(x, idx):
    dnums = lax.GatherDimensionNumbers(
        offset_dims=(), collapsed_slice_dims=(0,), start_index_map=(0,))
    return lax.gather(x, idx[:, None], dnums, (1,),
                      mode=lax.GatherScatterMode.PROMISE_IN_BOUNDS)


_NW = 32
_ROWS_PER_W = _H // _NW
_CAP = _N + 16


def _sc_median_body(px_h, py_h, pz_h, mean_h, out_h,
                    pxv, pyv, pzv, meanv, cmv, zcv, rowv, offv_ref, lanes_ref,
                    histv):
    wid = lax.axis_index("s") * 2 + lax.axis_index("c")
    pltpu.sync_copy(px_h, pxv)
    pltpu.sync_copy(py_h, pyv)
    pltpu.sync_copy(pz_h, pzv)
    pltpu.sync_copy(mean_h, meanv)
    mean = meanv[...]
    delta = 1.5 * (1.5 * mean)
    lanes = lax.iota(jnp.int32, 16)
    lanes_ref[...] = lanes

    def do_row(rr, _):
        r = jnp.where(rr == 0, wid, _H - 1 - wid)
        yf = jnp.broadcast_to(r.astype(jnp.float32) - float(_H // 2), (16,))
        ylo = yf - delta
        yhi = yf + delta
        xhi = yf + delta
        offv_ref[...] = jnp.zeros((16,), jnp.int32)
        for q in range(_W // 16):
            histv[pl.ds(q * 16, 16)] = jnp.zeros((16,), jnp.int32)

        def pass_compress(v, carry):
            px = pxv[pl.ds(v * 16, 16)]
            py = pyv[pl.ds(v * 16, 16)]
            pz = pzv[pl.ds(v * 16, 16)]
            base = (py >= ylo) & (py <= yhi) & (px <= xhi)
            cc = ((px + float(_W // 2)) + delta).astype(jnp.int32)
            up = ((cc + 1).astype(jnp.float32) - float(_W // 2)) - delta
            cc = jnp.where(up <= px, cc + 1, cc)
            dn = (cc.astype(jnp.float32) - float(_W // 2)) - delta
            cc = jnp.where(dn > px, cc - 1, cc)
            maskc = base & (cc >= 0)
            ccc = jnp.where(maskc, jnp.minimum(cc, _W - 1), -1)
            key = jnp.where(maskc, lanes, lanes + 16)
            _, perm = plsc.sort_key_val(key, lanes)
            cm_s = _vgather(ccc, perm)
            z_s = _vgather(pz, perm)
            dc, lm = plsc.scan_count(ccc, mask=maskc)
            plsc.addupdate_scatter(histv, [ccc], dc, mask=lm & maskc)
            lanesv = lanes_ref[...]
            offv = offv_ref[...]
            mtrue = lanesv >= 0
            plsc.store_scatter(cmv, [offv + lanesv], cm_s, mask=mtrue)
            plsc.store_scatter(zcv, [offv + lanesv], z_s, mask=mtrue)
            pc = plsc.all_reduce_population_count(maskc)
            offv_ref[...] = offv + pc
            return carry

        lax.fori_loop(0, _N // 16, pass_compress, 0)
        offv = offv_ref[...]
        lanesv = lanes_ref[...]
        plsc.store_scatter(cmv, [offv + lanesv],
                           jnp.full((16,), -1, jnp.int32), mask=lanesv >= 0)
        off = jnp.max(offv)
        nv = (off + 15) // 16

        cnt_vecs = []
        tot = jnp.zeros((16,), jnp.int32)
        for q in range(_W // 16 - 1, -1, -1):
            h = histv[pl.ds(q * 16, 16)]
            csum = plsc.cumsum(lax.rev(h, (0,)))
            suf = lax.rev(csum, (0,)) + tot
            tot = tot + _vgather(csum, jnp.full((16,), 15, jnp.int32))
            cnt_vecs.append(suf)
        cnt_vecs = cnt_vecs[::-1]

        for cg in range(_W // 16):
            cnt_vec = cnt_vecs[cg]
            rlo_vec = jnp.right_shift(cnt_vec - 1, 1) + 1
            rhi_vec = jnp.right_shift(cnt_vec, 1) + 1

            def do_cell(cl, out_vec, cnt_vec=cnt_vec, rlo_vec=rlo_vec,
                        rhi_vec=rhi_vec, cg=cg):
                c = jnp.broadcast_to(cg * 16 + cl, (16,))
                cls = jnp.broadcast_to(cl, (16,))
                cnt = _vgather(cnt_vec, cls)
                rlo = _vgather(rlo_vec, cls)
                rhi = _vgather(rhi_vec, cls)

                def scan_select(v, carry):
                    k, acc = carry
                    m = cmv[pl.ds(v * 16, 16)] >= c
                    zv = zcv[pl.ds(v * 16, 16)]
                    cum = plsc.cumsum(jnp.where(m, 1, 0)) + k
                    w = (jnp.where(m & (cum == rlo), 0.5, 0.0)
                         + jnp.where(m & (cum == rhi), 0.5, 0.0))
                    return (k + plsc.all_reduce_population_count(m),
                            acc + zv * w)

                _, acc = lax.fori_loop(
                    0, nv, scan_select,
                    (jnp.zeros((16,), jnp.int32), jnp.zeros((16,), jnp.float32)))
                med = jnp.broadcast_to(jnp.sum(acc), (16,))
                val = jnp.where(cnt > 0, (med - _ZLO) * _SCALE, 0.0)
                return jnp.where(lanes == cl, val, out_vec)

            out_vec = lax.fori_loop(0, 16, do_cell,
                                    jnp.zeros((16,), jnp.float32))
            rowv[pl.ds(cg * 16, 16)] = out_vec
        pltpu.sync_copy(rowv, out_h.at[r])
        return 0

    lax.fori_loop(0, _ROWS_PER_W, do_row, 0)


def _sc_median(px, py, pz, mean16):
    fn = pl.kernel(
        _sc_median_body,
        out_type=jax.ShapeDtypeStruct((_H, _W), jnp.float32),
        mesh=plsc.VectorSubcoreMesh(core_axis_name="c", subcore_axis_name="s",
                                    num_cores=2, num_subcores=16),
        scratch_types=[
            pltpu.VMEM((_N,), jnp.float32),
            pltpu.VMEM((_N,), jnp.float32),
            pltpu.VMEM((_N,), jnp.float32),
            pltpu.VMEM((16,), jnp.float32),
            pltpu.VMEM((_CAP,), jnp.int32),
            pltpu.VMEM((_CAP,), jnp.float32),
            pltpu.VMEM((_W,), jnp.float32),
            pltpu.VMEM((16,), jnp.int32),
            pltpu.VMEM((16,), jnp.int32),
            pltpu.VMEM((_W,), jnp.int32),
        ],
        compiler_params=pltpu.CompilerParams(needs_layout_passes=False),
    )
    return fn(px, py, pz, mean16)


def kernel(points):
    pcd = points * float(_H)
    p_pad = jnp.zeros((_N, 128), jnp.float32).at[:, :3].set(pcd)

    mean_nn = pl.pallas_call(
        _nn_mean_kernel,
        grid=(_N // _BI,),
        in_specs=[pl.BlockSpec((_N, 128), lambda i: (0, 0))],
        out_specs=pl.BlockSpec(memory_space=pltpu.SMEM),
        out_shape=jax.ShapeDtypeStruct((1, 1), jnp.float32),
    )(p_pad)

    pz_s, px_s, py_s = lax.sort(
        (pcd[:, 2], pcd[:, 0], pcd[:, 1]), num_keys=1)
    mean16 = mean_nn.reshape(1) * jnp.ones((16,), jnp.float32)
    return _sc_median(px_s, py_s, pz_s, mean16)

# --- scband reference (transcript-rebuilt; emitter-appended) ---
"""Pipeline reference for scband-project-to-plane-21887153341038 (READ-ONLY COPY).

The authoritative reference and input builder live on the scoring server;
editing this copy changes nothing except your own understanding.
"""

import jax, jax.numpy as jnp
import numpy as np

HEIGHT = 64
WIDTH = 64
Z_LIMS = (-32.0, 32.0)
M_FACTOR = 1.5
N_POINTS = 4096


def setup_inputs(seed: int = 0) -> dict:
    key = jax.random.key(seed)
    # points in roughly [-0.5, 0.5]^3 so that pcd = points*HEIGHT covers the grid
    points = jax.random.uniform(key, (N_POINTS, 3), dtype=jnp.float32) - 0.5
    return {"points": points}


def reference(points):
    pcd = points * HEIGHT
    n = pcd.shape[0]
    # --- kNN (k=2): nearest-neighbor distance for every point (idx[0] is self) ---
    sq = jnp.sum(pcd * pcd, axis=1)
    d2 = sq[:, None] + sq[None, :] - 2.0 * (pcd @ pcd.T)
    d2 = jnp.maximum(d2, 0.0)
    d2 = jnp.where(jnp.eye(n, dtype=bool), jnp.inf, d2)
    nn_dist = jnp.sqrt(jnp.min(d2, axis=1))
    avg_dist = jnp.mean(nn_dist)
    avg_dist = M_FACTOR * avg_dist
    delta2 = M_FACTOR * avg_dist
    # --- grid ---
    pc_xgrid = jnp.arange(-(WIDTH // 2), WIDTH // 2)
    pc_ygrid = jnp.arange(-(HEIGHT // 2), HEIGHT // 2)
    X, Y = jnp.meshgrid(pc_xgrid, pc_ygrid)
    Xf = X.ravel().astype(jnp.float32)
    Yf = Y.ravel().astype(jnp.float32)
    scale_factor = 1.0 / (Z_LIMS[1] - Z_LIMS[0])
    # --- ROI per cell (faithful to original, including the X-lo / Y-hi x-bound) ---
    xlo = Xf - delta2
    xhi = Yf + delta2
    ylo = Yf - delta2
    yhi = Yf + delta2
    px, py, pz = pcd[:, 0], pcd[:, 1], pcd[:, 2]
    mask = ((px[None, :] >= xlo[:, None]) & (px[None, :] <= xhi[:, None]) &
            (py[None, :] >= ylo[:, None]) & (py[None, :] <= yhi[:, None]))
    # z filter is (-inf, inf): always true
    cnt = jnp.sum(mask, axis=1)
    # --- masked median of z per cell (np.median semantics) ---
    zm = jnp.where(mask, pz[None, :], jnp.inf)
    zs = jnp.sort(zm, axis=1)
    lo = jnp.clip((cnt - 1) // 2, 0, n - 1)
    hi = jnp.clip(cnt // 2, 0, n - 1)
    slo = jnp.take_along_axis(zs, lo[:, None], axis=1)[:, 0]
    shi = jnp.take_along_axis(zs, hi[:, None], axis=1)[:, 0]
    med = 0.5 * (slo + shi)
    z_median = jnp.where(cnt > 0, (med - Z_LIMS[0]) * scale_factor, 0.0)
    Z = z_median.reshape(X.shape)
    return Z

if __name__ == "__main__":
    import jax
    _d = setup_inputs()
    print(jax.jit(kernel)(*tuple(_d.values())))

</pallas_src>

<mosaic_0001>
#map = affine_map<(d0, d1) -> (0)>
#map1 = affine_map<(d0, d1) -> (0, 0)>
module attributes {stable_mosaic.version = 14 : i64} {
  func.func @_sc_median_body(%arg0: i32, %arg1: i32, %arg2: memref<4096xf32, #tpu.memory_space<hbm>>, %arg3: memref<4096xf32, #tpu.memory_space<hbm>>, %arg4: memref<4096xf32, #tpu.memory_space<hbm>>, %arg5: memref<16xf32, #tpu.memory_space<hbm>>, %arg6: memref<64x64xf32, #tpu.memory_space<hbm>>, %arg7: memref<4096xf32, #tpu.memory_space<vmem>>, %arg8: memref<4096xf32, #tpu.memory_space<vmem>>, %arg9: memref<4096xf32, #tpu.memory_space<vmem>>, %arg10: memref<16xf32, #tpu.memory_space<vmem>>, %arg11: memref<4112xi32, #tpu.memory_space<vmem>>, %arg12: memref<4112xf32, #tpu.memory_space<vmem>>, %arg13: memref<64xf32, #tpu.memory_space<vmem>>, %arg14: memref<16xi32, #tpu.memory_space<vmem>>, %arg15: memref<16xi32, #tpu.memory_space<vmem>>, %arg16: memref<64xi32, #tpu.memory_space<vmem>>) attributes {dimension_semantics = [#tpu.dimension_semantics<core_parallel>, #tpu.dimension_semantics<subcore_parallel>], iteration_bounds = array<i64: 2, 16>, scalar_prefetch = 0 : i64, scratch_operands = 10 : i64, tpu.core_type = #tpu.core_type<sc_vector_subcore>, window_params = [{transform_indices = #map}, {transform_indices = #map}, {transform_indices = #map}, {transform_indices = #map}, {transform_indices = #map1}]} {
    %mul3A = arith.constant 2 : i32
    %mul3A_0 = arith.muli %arg1, %mul3A : i32
    %add3A = arith.addi %mul3A_0, %arg0 : i32
    "tpu.region"() ({
      %run_scoped3A = tpu.sem_alloc : memref<!tpu.dma_semaphore, #tpu.memory_space<semaphore_mem>>
      tpu.enqueue_dma source(%arg2 : memref<4096xf32, #tpu.memory_space<hbm>>) target(%arg7 : memref<4096xf32, #tpu.memory_space<vmem>>) target_semaphore(%run_scoped3A : memref<!tpu.dma_semaphore, #tpu.memory_space<semaphore_mem>>)
      tpu.wait_dma2 semaphore(%run_scoped3A : memref<!tpu.dma_semaphore, #tpu.memory_space<semaphore_mem>>) src(%arg2 : memref<4096xf32, #tpu.memory_space<hbm>>) dst(%arg7 : memref<4096xf32, #tpu.memory_space<vmem>>)
      tpu.yield
    }) : () -> ()
    "tpu.region"() ({
      %run_scoped3A = tpu.sem_alloc : memref<!tpu.dma_semaphore, #tpu.memory_space<semaphore_mem>>
      tpu.enqueue_dma source(%arg3 : memref<4096xf32, #tpu.memory_space<hbm>>) target(%arg8 : memref<4096xf32, #tpu.memory_space<vmem>>) target_semaphore(%run_scoped3A : memref<!tpu.dma_semaphore, #tpu.memory_space<semaphore_mem>>)
      tpu.wait_dma2 semaphore(%run_scoped3A : memref<!tpu.dma_semaphore, #tpu.memory_space<semaphore_mem>>) src(%arg3 : memref<4096xf32, #tpu.memory_space<hbm>>) dst(%arg8 : memref<4096xf32, #tpu.memory_space<vmem>>)
      tpu.yield
    }) : () -> ()
    "tpu.region"() ({
      %run_scoped3A = tpu.sem_alloc : memref<!tpu.dma_semaphore, #tpu.memory_space<semaphore_mem>>
      tpu.enqueue_dma source(%arg4 : memref<4096xf32, #tpu.memory_space<hbm>>) target(%arg9 : memref<4096xf32, #tpu.memory_space<vmem>>) target_semaphore(%run_scoped3A : memref<!tpu.dma_semaphore, #tpu.memory_space<semaphore_mem>>)
      tpu.wait_dma2 semaphore(%run_scoped3A : memref<!tpu.dma_semaphore, #tpu.memory_space<semaphore_mem>>) src(%arg4 : memref<4096xf32, #tpu.memory_space<hbm>>) dst(%arg9 : memref<4096xf32, #tpu.memory_space<vmem>>)
      tpu.yield
    }) : () -> ()
    "tpu.region"() ({
      %run_scoped3A = tpu.sem_alloc : memref<!tpu.dma_semaphore, #tpu.memory_space<semaphore_mem>>
      tpu.enqueue_dma source(%arg5 : memref<16xf32, #tpu.memory_space<hbm>>) target(%arg10 : memref<16xf32, #tpu.memory_space<vmem>>) target_semaphore(%run_scoped3A : memref<!tpu.dma_semaphore, #tpu.memory_space<semaphore_mem>>)
      tpu.wait_dma2 semaphore(%run_scoped3A : memref<!tpu.dma_semaphore, #tpu.memory_space<semaphore_mem>>) src(%arg5 : memref<16xf32, #tpu.memory_space<hbm>>) dst(%arg10 : memref<16xf32, #tpu.memory_space<vmem>>)
      tpu.yield
    }) : () -> ()
    %get3A = arith.constant 0 : index
    %get3A_1 = tpu.vector_load %arg10[%get3A] {strides = array<i32>} : memref<16xf32, #tpu.memory_space<vmem>>, vector<16xf32>,
    %mul3A_2 = arith.constant 1.500000e+00 : f32
    %mul3A_3 = vector.broadcast %mul3A_2 : f32 to vector<16xf32>
    %mul3A_4 = arith.mulf %mul3A_3, %get3A_1 : vector<16xf32>
    %mul3A_5 = arith.constant 1.500000e+00 : f32
    %mul3A_6 = vector.broadcast %mul3A_5 : f32 to vector<16xf32>
    %mul3A_7 = arith.mulf %mul3A_6, %mul3A_4 : vector<16xf32>
    %iota3A = tpu.iota {dimensions = array<i32: 0>} : vector<16xi32>
    %swap3A = arith.constant 0 : index
    %swap3A_8 = tpu.vector_load %arg15[%swap3A] {strides = array<i32>} : memref<16xi32, #tpu.memory_space<vmem>>, vector<16xi32>,
    tpu.vector_store %arg15[%swap3A], %iota3A {strides = array<i32>} : memref<16xi32, #tpu.memory_space<vmem>>, vector<16xi32>,
    %scan3A = arith.constant 0 : i32
    %scan3A_9 = arith.constant 0 : i32
    %scan3A_10 = arith.constant 2 : i32
    %scan3A_11 = arith.addi %scan3A_9, %scan3A_10 : i32
    %scan3A_12 = arith.constant 1 : i32
    %scan3A_13 = scf.for %scan3A_15 = %scan3A_9 to %scan3A_11 step %scan3A_12 iter_args(%scan3A_16 = %scan3A) -> (i32)  : i32 {
      %eq3A = arith.constant 0 : i32
      %eq3A_17 = arith.cmpi eq, %scan3A_15, %eq3A : i32
      %sub3A = arith.constant 63 : i32
      %sub3A_18 = arith.subi %sub3A, %add3A : i32
      %select_n3A = arith.select %eq3A_17, %add3A, %sub3A_18 : i32
      %convert_element_type3A = arith.sitofp %select_n3A : i32 to f32
      %sub3A_19 = arith.constant 3.200000e+01 : f32
      %sub3A_20 = arith.subf %convert_element_type3A, %sub3A_19 : f32
      %broadcast_in_dim3A = vector.broadcast %sub3A_20 : f32 to vector<16xf32>
      %sub3A_21 = arith.subf %broadcast_in_dim3A, %mul3A_7 : vector<16xf32>
      %add3A_22 = arith.addf %broadcast_in_dim3A, %mul3A_7 : vector<16xf32>
      %add3A_23 = arith.addf %broadcast_in_dim3A, %mul3A_7 : vector<16xf32>
      %broadcast_in_dim3A_24 = arith.constant 0 : i32
      %broadcast_in_dim3A_25 = vector.broadcast %broadcast_in_dim3A_24 : i32 to vector<16xi32>
      %swap3A_26 = arith.constant 0 : index
      %swap3A_27 = tpu.vector_load %arg14[%swap3A_26] {strides = array<i32>} : memref<16xi32, #tpu.memory_space<vmem>>, vector<16xi32>,
      tpu.vector_store %arg14[%swap3A_26], %broadcast_in_dim3A_25 {strides = array<i32>} : memref<16xi32, #tpu.memory_space<vmem>>, vector<16xi32>,
      %broadcast_in_dim3A_28 = arith.constant 0 : i32
      %broadcast_in_dim3A_29 = vector.broadcast %broadcast_in_dim3A_28 : i32 to vector<16xi32>
      %swap3A_30 = arith.constant 0 : index
      %swap3A_31 = tpu.vector_load %arg16[%swap3A_30] {strides = array<i32>} : memref<64xi32, #tpu.memory_space<vmem>>, vector<16xi32>,
      tpu.vector_store %arg16[%swap3A_30], %broadcast_in_dim3A_29 {strides = array<i32>} : memref<64xi32, #tpu.memory_space<vmem>>, vector<16xi32>,
      %broadcast_in_dim3A_32 = arith.constant 0 : i32
      %broadcast_in_dim3A_33 = vector.broadcast %broadcast_in_dim3A_32 : i32 to vector<16xi32>
      %swap3A_34 = arith.constant 16 : index
      %swap3A_35 = tpu.vector_load %arg16[%swap3A_34] {strides = array<i32>} : memref<64xi32, #tpu.memory_space<vmem>>, vector<16xi32>,
      tpu.vector_store %arg16[%swap3A_34], %broadcast_in_dim3A_33 {strides = array<i32>} : memref<64xi32, #tpu.memory_space<vmem>>, vector<16xi32>,
      %broadcast_in_dim3A_36 = arith.constant 0 : i32
      %broadcast_in_dim3A_37 = vector.broadcast %broadcast_in_dim3A_36 : i32 to vector<16xi32>
      %swap3A_38 = arith.constant 32 : index
      %swap3A_39 = tpu.vector_load %arg16[%swap3A_38] {strides = array<i32>} : memref<64xi32, #tpu.memory_space<vmem>>, vector<16xi32>,
      tpu.vector_store %arg16[%swap3A_38], %broadcast_in_dim3A_37 {strides = array<i32>} : memref<64xi32, #tpu.memory_space<vmem>>, vector<16xi32>,
      %broadcast_in_dim3A_40 = arith.constant 0 : i32
      %broadcast_in_dim3A_41 = vector.broadcast %broadcast_in_dim3A_40 : i32 to vector<16xi32>
      %swap3A_42 = arith.constant 48 : index
      %swap3A_43 = tpu.vector_load %arg16[%swap3A_42] {strides = array<i32>} : memref<64xi32, #tpu.memory_space<vmem>>, vector<16xi32>,
      tpu.vector_store %arg16[%swap3A_42], %broadcast_in_dim3A_41 {strides = array<i32>} : memref<64xi32, #tpu.memory_space<vmem>>, vector<16xi32>,
      %scan3A_44 = arith.constant 0 : i32
      %scan3A_45 = arith.constant 0 : i32
      %scan3A_46 = arith.constant 256 : i32
      %scan3A_47 = arith.addi %scan3A_45, %scan3A_46 : i32
      %scan3A_48 = arith.constant 1 : i32
      scf.for %scan3A_273 = %scan3A_45 to %scan3A_47 step %scan3A_48  : i32 {
        %mul3A_274 = arith.constant 16 : i32
        %mul3A_275 = arith.muli %scan3A_273, %mul3A_274 : i32
        %get3A_276 = arith.index_cast %mul3A_275 : i32 to index
        %get3A_277 = tpu.vector_load %arg7[%get3A_276] {strides = array<i32>} : memref<4096xf32, #tpu.memory_space<vmem>>, vector<16xf32>,
        %mul3A_278 = arith.constant 16 : i32
        %mul3A_279 = arith.muli %scan3A_273, %mul3A_278 : i32
        %get3A_280 = arith.index_cast %mul3A_279 : i32 to index
        %get3A_281 = tpu.vector_load %arg8[%get3A_280] {strides = array<i32>} : memref<4096xf32, #tpu.memory_space<vmem>>, vector<16xf32>,
        %mul3A_282 = arith.constant 16 : i32
        %mul3A_283 = arith.muli %scan3A_273, %mul3A_282 : i32
        %get3A_284 = arith.index_cast %mul3A_283 : i32 to index
        %get3A_285 = tpu.vector_load %arg9[%get3A_284] {strides = array<i32>} : memref<4096xf32, #tpu.memory_space<vmem>>, vector<16xf32>,
        %ge3A_286 = arith.cmpf oge, %get3A_281, %sub3A_21 : vector<16xf32>
        %le3A = arith.cmpf ole, %get3A_281, %add3A_22 : vector<16xf32>
        %and3A_287 = arith.andi %ge3A_286, %le3A : vector<16xi1>
        %le3A_288 = arith.cmpf ole, %get3A_277, %add3A_23 : vector<16xf32>
        %and3A_289 = arith.andi %and3A_287, %le3A_288 : vector<16xi1>
        %add3A_290 = arith.constant 3.200000e+01 : f32
        %add3A_291 = vector.broadcast %add3A_290 : f32 to vector<16xf32>
        %add3A_292 = arith.addf %get3A_277, %add3A_291 : vector<16xf32>
        %add3A_293 = arith.addf %add3A_292, %mul3A_7 : vector<16xf32>
        %convert_element_type3A_294 = arith.fptosi %add3A_293 : vector<16xf32> to vector<16xi32>
        %add3A_295 = arith.constant 1 : i32
        %add3A_296 = vector.broadcast %add3A_295 : i32 to vector<16xi32>
        %add3A_297 = arith.addi %convert_element_type3A_294, %add3A_296 : vector<16xi32>
        %convert_element_type3A_298 = arith.sitofp %add3A_297 : vector<16xi32> to vector<16xf32>
        %sub3A_299 = arith.constant 3.200000e+01 : f32
        %sub3A_300 = vector.broadcast %sub3A_299 : f32 to vector<16xf32>
        %sub3A_301 = arith.subf %convert_element_type3A_298, %sub3A_300 : vector<16xf32>
        %sub3A_302 = arith.subf %sub3A_301, %mul3A_7 : vector<16xf32>
        %le3A_303 = arith.cmpf ole, %sub3A_302, %get3A_277 : vector<16xf32>
        %add3A_304 = arith.constant 1 : i32
        %add3A_305 = vector.broadcast %add3A_304 : i32 to vector<16xi32>
        %add3A_306 = arith.addi %convert_element_type3A_294, %add3A_305 : vector<16xi32>
        %select_n3A_307 = arith.select %le3A_303, %add3A_306, %convert_element_type3A_294 : vector<16xi1>, vector<16xi32>
        %convert_element_type3A_308 = arith.sitofp %select_n3A_307 : vector<16xi32> to vector<16xf32>
        %sub3A_309 = arith.constant 3.200000e+01 : f32
        %sub3A_310 = vector.broadcast %sub3A_309 : f32 to vector<16xf32>
        %sub3A_311 = arith.subf %convert_element_type3A_308, %sub3A_310 : vector<16xf32>
        %sub3A_312 = arith.subf %sub3A_311, %mul3A_7 : vector<16xf32>
        %gt3A = arith.cmpf ogt, %sub3A_312, %get3A_277 : vector<16xf32>
        %sub3A_313 = arith.constant 1 : i32
        %sub3A_314 = vector.broadcast %sub3A_313 : i32 to vector<16xi32>
        %sub3A_315 = arith.subi %select_n3A_307, %sub3A_314 : vector<16xi32>
        %select_n3A_316 = arith.select %gt3A, %sub3A_315, %select_n3A_307 : vector<16xi1>, vector<16xi32>
        %ge3A_317 = arith.constant 0 : i32
        %ge3A_318 = vector.broadcast %ge3A_317 : i32 to vector<16xi32>
        %ge3A_319 = arith.cmpi sge, %select_n3A_316, %ge3A_318 : vector<16xi32>
        %and3A_320 = arith.andi %and3A_289, %ge3A_319 : vector<16xi1>
        %min3A = arith.constant 63 : i32
        %min3A_321 = vector.broadcast %min3A : i32 to vector<16xi32>
        %min3A_322 = arith.minsi %select_n3A_316, %min3A_321 : vector<16xi32>
        %jit3A_323 = arith.constant -1 : i32
        %broadcast_in_dim3A_324 = vector.broadcast %jit3A_323 : i32 to vector<16xi32>
        %select_n3A_325 = arith.select %and3A_320, %min3A_322, %broadcast_in_dim3A_324 : vector<16xi1>, vector<16xi32>
        %add3A_326 = arith.constant 16 : i32
        %add3A_327 = vector.broadcast %add3A_326 : i32 to vector<16xi32>
        %add3A_328 = arith.addi %iota3A, %add3A_327 : vector<16xi32>
        %select_n3A_329 = arith.select %and3A_320, %iota3A, %add3A_328 : vector<16xi1>, vector<16xi32>
        %masked_sort3A = arith.constant dense<true> : vector<16xi1>
        %masked_sort3A_330 = arith.constant -2147483648 : i32
        %masked_sort3A_331 = vector.broadcast %masked_sort3A_330 : i32 to vector<16xi32>
        %masked_sort3A_332 = arith.xori %select_n3A_329, %masked_sort3A_331 : vector<16xi32>
        %masked_sort3A_333, %masked_sort3A_334, %masked_sort3A_335 = tpu.sort %masked_sort3A_332, %iota3A masked %masked_sort3A : (vector<16xi32>, vector<16xi32>, vector<16xi1>) -> (vector<16xi1>, vector<16xi32>, vector<16xi32>)
        %masked_sort3A_336 = arith.xori %masked_sort3A_334, %masked_sort3A_331 : vector<16xi32>
        %broadcast_in_dim3A_337 = vector.shape_cast %masked_sort3A_335 : vector<16xi32> to vector<16x1xi32>
        %gather3A_338 = vector.shape_cast %broadcast_in_dim3A_337 : vector<16x1xi32> to vector<16xi32>
        %gather3A_339 = tpu.dynamic_gather %select_n3A_325[%gather3A_338] in [0] : vector<16xi32>, vector<16xi32> -> vector<16xi32>
        %broadcast_in_dim3A_340 = vector.shape_cast %masked_sort3A_335 : vector<16xi32> to vector<16x1xi32>
        %gather3A_341 = vector.shape_cast %broadcast_in_dim3A_340 : vector<16x1xi32> to vector<16xi32>
        %gather3A_342 = tpu.dynamic_gather %get3A_285[%gather3A_341] in [0] : vector<16xf32>, vector<16xi32> -> vector<16xf32>
        %unique3A, %unique3A_343 = tpu.scan_count mask(%and3A_320 : vector<16xi1>) value(%select_n3A_325 : vector<16xi32>) : vector<16xi1>, vector<16xi32>
        %and3A_344 = arith.andi %unique3A, %and3A_320 : vector<16xi1>
        tpu.vector_store_idx %arg16[%select_n3A_325], %unique3A_343 masked %and3A_344 {add = true} : memref<64xi32, #tpu.memory_space<vmem>>[vector<16xi32>], vector<16xi32>, vector<16xi1>
        %get3A_345 = arith.constant 0 : index
        %get3A_346 = tpu.vector_load %arg15[%get3A_345] {strides = array<i32>} : memref<16xi32, #tpu.memory_space<vmem>>, vector<16xi32>,
        %get3A_347 = arith.constant 0 : index
        %get3A_348 = tpu.vector_load %arg14[%get3A_347] {strides = array<i32>} : memref<16xi32, #tpu.memory_space<vmem>>, vector<16xi32>,
        %ge3A_349 = arith.constant 0 : i32
        %ge3A_350 = vector.broadcast %ge3A_349 : i32 to vector<16xi32>
        %ge3A_351 = arith.cmpi sge, %get3A_346, %ge3A_350 : vector<16xi32>
        %add3A_352 = arith.addi %get3A_348, %get3A_346 : vector<16xi32>
        tpu.vector_store_idx %arg11[%add3A_352], %gather3A_339 masked %ge3A_351 : memref<4112xi32, #tpu.memory_space<vmem>>[vector<16xi32>], vector<16xi32>, vector<16xi1>
        %add3A_353 = arith.addi %get3A_348, %get3A_346 : vector<16xi32>
        tpu.vector_store_idx %arg12[%add3A_353], %gather3A_342 masked %ge3A_351 : memref<4112xf32, #tpu.memory_space<vmem>>[vector<16xi32>], vector<16xf32>, vector<16xi1>
        %all_reduce_population_count3A = tpu.all_reduce %and3A_320 {dim = 0 : i64, kind = #tpu.reduction_kind<sum>} : vector<16xi1> -> vector<16xi32>
        %add3A_354 = arith.addi %get3A_348, %all_reduce_population_count3A : vector<16xi32>
        %swap3A_355 = arith.constant 0 : index
        %swap3A_356 = tpu.vector_load %arg14[%swap3A_355] {strides = array<i32>} : memref<16xi32, #tpu.memory_space<vmem>>, vector<16xi32>,
        tpu.vector_store %arg14[%swap3A_355], %add3A_354 {strides = array<i32>} : memref<16xi32, #tpu.memory_space<vmem>>, vector<16xi32>,
      }
      %scan3A_49 = arith.constant 256 : i32
      %get3A_50 = arith.constant 0 : index
      %get3A_51 = tpu.vector_load %arg14[%get3A_50] {strides = array<i32>} : memref<16xi32, #tpu.memory_space<vmem>>, vector<16xi32>,
      %get3A_52 = arith.constant 0 : index
      %get3A_53 = tpu.vector_load %arg15[%get3A_52] {strides = array<i32>} : memref<16xi32, #tpu.memory_space<vmem>>, vector<16xi32>,
      %add3A_54 = arith.addi %get3A_51, %get3A_53 : vector<16xi32>
      %broadcast_in_dim3A_55 = arith.constant -1 : i32
      %broadcast_in_dim3A_56 = vector.broadcast %broadcast_in_dim3A_55 : i32 to vector<16xi32>
      %ge3A = arith.constant 0 : i32
      %ge3A_57 = vector.broadcast %ge3A : i32 to vector<16xi32>
      %ge3A_58 = arith.cmpi sge, %get3A_53, %ge3A_57 : vector<16xi32>
      tpu.vector_store_idx %arg11[%add3A_54], %broadcast_in_dim3A_56 masked %ge3A_58 : memref<4112xi32, #tpu.memory_space<vmem>>[vector<16xi32>], vector<16xi32>, vector<16xi1>
      %reduce_max3A = arith.constant true
      %reduce_max3A_59 = vector.broadcast %reduce_max3A : i1 to vector<16xi1>
      %reduce_max3A_60 = arith.constant -2147483648 : i32
      %reduce_max3A_61 = vector.broadcast %reduce_max3A_60 : i32 to vector<16xi32>
      %reduce_max3A_62 = arith.xori %get3A_51, %reduce_max3A_61 : vector<16xi32>
      %reduce_max3A_63 = tpu.scan <max>, %reduce_max3A_62 masked %reduce_max3A_59 : vector<16xi32>, vector<16xi1> -> vector<16xi32>
      %reduce_max3A_64 = arith.xori %reduce_max3A_63, %reduce_max3A_61 : vector<16xi32>
      %reduce_max3A_65 = vector.extract %reduce_max3A_64[15] : i32 from vector<16xi32>
      %add3A_66 = arith.constant 15 : i32
      %add3A_67 = arith.addi %reduce_max3A_65, %add3A_66 : i32
      %jit3A = arith.constant 16 : i32
      %div3A = arith.divsi %add3A_67, %jit3A : i32
      %sign3A = arith.constant 0 : i32
      %sign3A_68 = arith.cmpi sgt, %add3A_67, %sign3A : i32
      %sign3A_69 = arith.extui %sign3A_68 : i1 to i32
      %sign3A_70 = arith.constant 0 : i32
      %sign3A_71 = arith.cmpi slt, %add3A_67, %sign3A_70 : i32
      %sign3A_72 = arith.extui %sign3A_71 : i1 to i32
      %sign3A_73 = arith.subi %sign3A_69, %sign3A_72 : i32
      %sign3A_74 = arith.constant 0 : i32
      %sign3A_75 = arith.cmpi sgt, %jit3A, %sign3A_74 : i32
      %sign3A_76 = arith.extui %sign3A_75 : i1 to i32
      %sign3A_77 = arith.constant 0 : i32
      %sign3A_78 = arith.cmpi slt, %jit3A, %sign3A_77 : i32
      %sign3A_79 = arith.extui %sign3A_78 : i1 to i32
      %sign3A_80 = arith.subi %sign3A_76, %sign3A_79 : i32
      %ne3A = arith.cmpi ne, %sign3A_73, %sign3A_80 : i32
      %rem3A = arith.remsi %add3A_67, %jit3A : i32
      %ne3A_81 = arith.constant 0 : i32
      %ne3A_82 = arith.cmpi ne, %rem3A, %ne3A_81 : i32
      %and3A = arith.andi %ne3A, %ne3A_82 : i1
      %sub3A_83 = arith.constant 1 : i32
      %sub3A_84 = arith.subi %div3A, %sub3A_83 : i32
      %select_n3A_85 = arith.select %and3A, %sub3A_84, %div3A : i32
      %broadcast_in_dim3A_86 = arith.constant 0 : i32
      %broadcast_in_dim3A_87 = vector.broadcast %broadcast_in_dim3A_86 : i32 to vector<16xi32>
      %get3A_88 = arith.constant 48 : index
      %get3A_89 = tpu.vector_load %arg16[%get3A_88] {strides = array<i32>} : memref<64xi32, #tpu.memory_space<vmem>>, vector<16xi32>,
      %rev3A = arith.constant 15 : i32
      %rev3A_90 = vector.broadcast %rev3A : i32 to vector<16xi32>
      %rev3A_91 = tpu.iota {dimensions = array<i32: 0>} : vector<16xi32>
      %rev3A_92 = arith.subi %rev3A_90, %rev3A_91 : vector<16xi32>
      %rev3A_93 = tpu.dynamic_gather %get3A_89[%rev3A_92] in [0] : vector<16xi32>, vector<16xi32> -> vector<16xi32>
      %broadcast_in_dim3A_94 = arith.constant true
      %broadcast_in_dim3A_95 = vector.broadcast %broadcast_in_dim3A_94 : i1 to vector<16xi1>
      %masked_cumsum3A = tpu.scan <sum>, %rev3A_93 masked %broadcast_in_dim3A_95 : vector<16xi32>, vector<16xi1> -> vector<16xi32>
      %rev3A_96 = arith.constant 15 : i32
      %rev3A_97 = vector.broadcast %rev3A_96 : i32 to vector<16xi32>
      %rev3A_98 = tpu.iota {dimensions = array<i32: 0>} : vector<16xi32>
      %rev3A_99 = arith.subi %rev3A_97, %rev3A_98 : vector<16xi32>
      %rev3A_100 = tpu.dynamic_gather %masked_cumsum3A[%rev3A_99] in [0] : vector<16xi32>, vector<16xi32> -> vector<16xi32>
      %add3A_101 = arith.addi %rev3A_100, %broadcast_in_dim3A_87 : vector<16xi32>
      %broadcast_in_dim3A_102 = arith.constant 15 : i32
      %broadcast_in_dim3A_103 = vector.broadcast %broadcast_in_dim3A_102 : i32 to vector<16xi32>
      %broadcast_in_dim3A_104 = vector.shape_cast %broadcast_in_dim3A_103 : vector<16xi32> to vector<16x1xi32>
      %gather3A = vector.shape_cast %broadcast_in_dim3A_104 : vector<16x1xi32> to vector<16xi32>
      %gather3A_105 = tpu.dynamic_gather %masked_cumsum3A[%gather3A] in [0] : vector<16xi32>, vector<16xi32> -> vector<16xi32>
      %add3A_106 = arith.addi %broadcast_in_dim3A_87, %gather3A_105 : vector<16xi32>
      %get3A_107 = arith.constant 32 : index
      %get3A_108 = tpu.vector_load %arg16[%get3A_107] {strides = array<i32>} : memref<64xi32, #tpu.memory_space<vmem>>, vector<16xi32>,
      %rev3A_109 = arith.constant 15 : i32
      %rev3A_110 = vector.broadcast %rev3A_109 : i32 to vector<16xi32>
      %rev3A_111 = tpu.iota {dimensions = array<i32: 0>} : vector<16xi32>
      %rev3A_112 = arith.subi %rev3A_110, %rev3A_111 : vector<16xi32>
      %rev3A_113 = tpu.dynamic_gather %get3A_108[%rev3A_112] in [0] : vector<16xi32>, vector<16xi32> -> vector<16xi32>
      %broadcast_in_dim3A_114 = arith.constant true
      %broadcast_in_dim3A_115 = vector.broadcast %broadcast_in_dim3A_114 : i1 to vector<16xi1>
      %masked_cumsum3A_116 = tpu.scan <sum>, %rev3A_113 masked %broadcast_in_dim3A_115 : vector<16xi32>, vector<16xi1> -> vector<16xi32>
      %rev3A_117 = arith.constant 15 : i32
      %rev3A_118 = vector.broadcast %rev3A_117 : i32 to vector<16xi32>
      %rev3A_119 = tpu.iota {dimensions = array<i32: 0>} : vector<16xi32>
      %rev3A_120 = arith.subi %rev3A_118, %rev3A_119 : vector<16xi32>
      %rev3A_121 = tpu.dynamic_gather %masked_cumsum3A_116[%rev3A_120] in [0] : vector<16xi32>, vector<16xi32> -> vector<16xi32>
      %add3A_122 = arith.addi %rev3A_121, %add3A_106 : vector<16xi32>
      %broadcast_in_dim3A_123 = arith.constant 15 : i32
      %broadcast_in_dim3A_124 = vector.broadcast %broadcast_in_dim3A_123 : i32 to vector<16xi32>
      %broadcast_in_dim3A_125 = vector.shape_cast %broadcast_in_dim3A_124 : vector<16xi32> to vector<16x1xi32>
      %gather3A_126 = vector.shape_cast %broadcast_in_dim3A_125 : vector<16x1xi32> to vector<16xi32>
      %gather3A_127 = tpu.dynamic_gather %masked_cumsum3A_116[%gather3A_126] in [0] : vector<16xi32>, vector<16xi32> -> vector<16xi32>
      %add3A_128 = arith.addi %add3A_106, %gather3A_127 : vector<16xi32>
      %get3A_129 = arith.constant 16 : index
      %get3A_130 = tpu.vector_load %arg16[%get3A_129] {strides = array<i32>} : memref<64xi32, #tpu.memory_space<vmem>>, vector<16xi32>,
      %rev3A_131 = arith.constant 15 : i32
      %rev3A_132 = vector.broadcast %rev3A_131 : i32 to vector<16xi32>
      %rev3A_133 = tpu.iota {dimensions = array<i32: 0>} : vector<16xi32>
      %rev3A_134 = arith.subi %rev3A_132, %rev3A_133 : vector<16xi32>
      %rev3A_135 = tpu.dynamic_gather %get3A_130[%rev3A_134] in [0] : vector<16xi32>, vector<16xi32> -> vector<16xi32>
      %broadcast_in_dim3A_136 = arith.constant true
      %broadcast_in_dim3A_137 = vector.broadcast %broadcast_in_dim3A_136 : i1 to vector<16xi1>
      %masked_cumsum3A_138 = tpu.scan <sum>, %rev3A_135 masked %broadcast_in_dim3A_137 : vector<16xi32>, vector<16xi1> -> vector<16xi32>
      %rev3A_139 = arith.constant 15 : i32
      %rev3A_140 = vector.broadcast %rev3A_139 : i32 to vector<16xi32>
      %rev3A_141 = tpu.iota {dimensions = array<i32: 0>} : vector<16xi32>
      %rev3A_142 = arith.subi %rev3A_140, %rev3A_141 : vector<16xi32>
      %rev3A_143 = tpu.dynamic_gather %masked_cumsum3A_138[%rev3A_142] in [0] : vector<16xi32>, vector<16xi32> -> vector<16xi32>
      %add3A_144 = arith.addi %rev3A_143, %add3A_128 : vector<16xi32>
      %broadcast_in_dim3A_145 = arith.constant 15 : i32
      %broadcast_in_dim3A_146 = vector.broadcast %broadcast_in_dim3A_145 : i32 to vector<16xi32>
      %broadcast_in_dim3A_147 = vector.shape_cast %broadcast_in_dim3A_146 : vector<16xi32> to vector<16x1xi32>
      %gather3A_148 = vector.shape_cast %broadcast_in_dim3A_147 : vector<16x1xi32> to vector<16xi32>
      %gather3A_149 = tpu.dynamic_gather %masked_cumsum3A_138[%gather3A_148] in [0] : vector<16xi32>, vector<16xi32> -> vector<16xi32>
      %add3A_150 = arith.addi %add3A_128, %gather3A_149 : vector<16xi32>
      %get3A_151 = arith.constant 0 : index
      %get3A_152 = tpu.vector_load %arg16[%get3A_151] {strides = array<i32>} : memref<64xi32, #tpu.memory_space<vmem>>, vector<16xi32>,
      %rev3A_153 = arith.constant 15 : i32
      %rev3A_154 = vector.broadcast %rev3A_153 : i32 to vector<16xi32>
      %rev3A_155 = tpu.iota {dimensions = array<i32: 0>} : vector<16xi32>
      %rev3A_156 = arith.subi %rev3A_154, %rev3A_155 : vector<16xi32>
      %rev3A_157 = tpu.dynamic_gather %get3A_152[%rev3A_156] in [0] : vector<16xi32>, vector<16xi32> -> vector<16xi32>
      %broadcast_in_dim3A_158 = arith.constant true
      %broadcast_in_dim3A_159 = vector.broadcast %broadcast_in_dim3A_158 : i1 to vector<16xi1>
      %masked_cumsum3A_160 = tpu.scan <sum>, %rev3A_157 masked %broadcast_in_dim3A_159 : vector<16xi32>, vector<16xi1> -> vector<16xi32>
      %rev3A_161 = arith.constant 15 : i32
      %rev3A_162 = vector.broadcast %rev3A_161 : i32 to vector<16xi32>
      %rev3A_163 = tpu.iota {dimensions = array<i32: 0>} : vector<16xi32>
      %rev3A_164 = arith.subi %rev3A_162, %rev3A_163 : vector<16xi32>
      %rev3A_165 = tpu.dynamic_gather %masked_cumsum3A_160[%rev3A_164] in [0] : vector<16xi32>, vector<16xi32> -> vector<16xi32>
      %add3A_166 = arith.addi %rev3A_165, %add3A_150 : vector<16xi32>
      %broadcast_in_dim3A_167 = arith.constant 15 : i32
      %broadcast_in_dim3A_168 = vector.broadcast %broadcast_in_dim3A_167 : i32 to vector<16xi32>
      %broadcast_in_dim3A_169 = vector.shape_cast %broadcast_in_dim3A_168 : vector<16xi32> to vector<16x1xi32>
      %gather3A_170 = vector.shape_cast %broadcast_in_dim3A_169 : vector<16x1xi32> to vector<16xi32>
      %gather3A_171 = tpu.dynamic_gather %masked_cumsum3A_160[%gather3A_170] in [0] : vector<16xi32>, vector<16xi32> -> vector<16xi32>
      %add3A_172 = arith.addi %add3A_150, %gather3A_171 : vector<16xi32>
      %sub3A_173 = arith.constant 1 : i32
      %sub3A_174 = vector.broadcast %sub3A_173 : i32 to vector<16xi32>
      %sub3A_175 = arith.subi %add3A_166, %sub3A_174 : vector<16xi32>
      %shift_right_arithmetic3A = arith.constant 1 : i32
      %shift_right_arithmetic3A_176 = vector.broadcast %shift_right_arithmetic3A : i32 to vector<16xi32>
      %shift_right_arithmetic3A_177 = arith.shrsi %sub3A_175, %shift_right_arithmetic3A_176 : vector<16xi32>
      %add3A_178 = arith.constant 1 : i32
      %add3A_179 = vector.broadcast %add3A_178 : i32 to vector<16xi32>
      %add3A_180 = arith.addi %shift_right_arithmetic3A_177, %add3A_179 : vector<16xi32>
      %shift_right_arithmetic3A_181 = arith.constant 1 : i32
      %shift_right_arithmetic3A_182 = vector.broadcast %shift_right_arithmetic3A_181 : i32 to vector<16xi32>
      %shift_right_arithmetic3A_183 = arith.shrsi %add3A_166, %shift_right_arithmetic3A_182 : vector<16xi32>
      %add3A_184 = arith.constant 1 : i32
      %add3A_185 = vector.broadcast %add3A_184 : i32 to vector<16xi32>
      %add3A_186 = arith.addi %shift_right_arithmetic3A_183, %add3A_185 : vector<16xi32>
      %broadcast_in_dim3A_187 = arith.constant 0.000000e+00 : f32
      %broadcast_in_dim3A_188 = vector.broadcast %broadcast_in_dim3A_187 : f32 to vector<16xf32>
      %scan3A_189 = arith.constant 0 : i32
      %scan3A_190 = arith.constant 16 : i32
      %scan3A_191 = arith.addi %scan3A_189, %scan3A_190 : i32
      %scan3A_192 = arith.constant 1 : i32
      %scan3A_193 = scf.for %scan3A_273 = %scan3A_189 to %scan3A_191 step %scan3A_192 iter_args(%scan3A_274 = %broadcast_in_dim3A_188) -> (vector<16xf32>)  : i32 {
        %add3A_275 = arith.constant 0 : i32
        %add3A_276 = arith.addi %add3A_275, %scan3A_273 : i32
        %broadcast_in_dim3A_277 = vector.broadcast %add3A_276 : i32 to vector<16xi32>
        %broadcast_in_dim3A_278 = vector.broadcast %scan3A_273 : i32 to vector<16xi32>
        %broadcast_in_dim3A_279 = vector.shape_cast %broadcast_in_dim3A_278 : vector<16xi32> to vector<16x1xi32>
        %gather3A_280 = vector.shape_cast %broadcast_in_dim3A_279 : vector<16x1xi32> to vector<16xi32>
        %gather3A_281 = tpu.dynamic_gather %add3A_166[%gather3A_280] in [0] : vector<16xi32>, vector<16xi32> -> vector<16xi32>
        %broadcast_in_dim3A_282 = vector.shape_cast %broadcast_in_dim3A_278 : vector<16xi32> to vector<16x1xi32>
        %gather3A_283 = vector.shape_cast %broadcast_in_dim3A_282 : vector<16x1xi32> to vector<16xi32>
        %gather3A_284 = tpu.dynamic_gather %add3A_180[%gather3A_283] in [0] : vector<16xi32>, vector<16xi32> -> vector<16xi32>
        %broadcast_in_dim3A_285 = vector.shape_cast %broadcast_in_dim3A_278 : vector<16xi32> to vector<16x1xi32>
        %gather3A_286 = vector.shape_cast %broadcast_in_dim3A_285 : vector<16x1xi32> to vector<16xi32>
        %gather3A_287 = tpu.dynamic_gather %add3A_186[%gather3A_286] in [0] : vector<16xi32>, vector<16xi32> -> vector<16xi32>
        %broadcast_in_dim3A_288 = arith.constant 0 : i32
        %broadcast_in_dim3A_289 = vector.broadcast %broadcast_in_dim3A_288 : i32 to vector<16xi32>
        %broadcast_in_dim3A_290 = arith.constant 0.000000e+00 : f32
        %broadcast_in_dim3A_291 = vector.broadcast %broadcast_in_dim3A_290 : f32 to vector<16xf32>
        %while3A = arith.constant 0 : i32
        %while3A_292 = arith.subi %select_n3A_85, %while3A : i32
        %while3A_293 = arith.addi %while3A, %while3A_292 : i32
        %while3A_294 = arith.constant 1 : i32
        %while3A_295 = arith.divsi %while3A_292, %while3A_294 : i32
        %while3A_296 = arith.muli %while3A_295, %while3A_294 : i32
        %while3A_297 = arith.addi %while3A, %while3A_296 : i32
        %while3A_298 = arith.constant 1 : i32
        %while3A_299:2 = scf.for %while3A_320 = %while3A to %while3A_297 step %while3A_298 iter_args(%while3A_321 = %broadcast_in_dim3A_289, %while3A_322 = %broadcast_in_dim3A_291) -> (vector<16xi32>, vector<16xf32>)  : i32 {
          %mul3A_323 = arith.constant 16 : i32
          %mul3A_324 = arith.muli %while3A_320, %mul3A_323 : i32
          %get3A_325 = arith.index_cast %mul3A_324 : i32 to index
          %get3A_326 = tpu.vector_load %arg11[%get3A_325] {strides = array<i32>} : memref<4112xi32, #tpu.memory_space<vmem>>, vector<16xi32>,
          %ge3A_327 = arith.cmpi sge, %get3A_326, %broadcast_in_dim3A_277 : vector<16xi32>
          %mul3A_328 = arith.constant 16 : i32
          %mul3A_329 = arith.muli %while3A_320, %mul3A_328 : i32
          %get3A_330 = arith.index_cast %mul3A_329 : i32 to index
          %get3A_331 = tpu.vector_load %arg12[%get3A_330] {strides = array<i32>} : memref<4112xf32, #tpu.memory_space<vmem>>, vector<16xf32>,
          %jit3A_332 = arith.constant 1 : i32
          %jit3A_333 = arith.constant 0 : i32
          %broadcast_in_dim3A_334 = vector.broadcast %jit3A_332 : i32 to vector<16xi32>
          %broadcast_in_dim3A_335 = vector.broadcast %jit3A_333 : i32 to vector<16xi32>
          %select_n3A_336 = arith.select %ge3A_327, %broadcast_in_dim3A_334, %broadcast_in_dim3A_335 : vector<16xi1>, vector<16xi32>
          %broadcast_in_dim3A_337 = arith.constant true
          %broadcast_in_dim3A_338 = vector.broadcast %broadcast_in_dim3A_337 : i1 to vector<16xi1>
          %masked_cumsum3A_339 = tpu.scan <sum>, %select_n3A_336 masked %broadcast_in_dim3A_338 : vector<16xi32>, vector<16xi1> -> vector<16xi32>
          %add3A_340 = arith.addi %masked_cumsum3A_339, %while3A_321 : vector<16xi32>
          %eq3A_341 = arith.cmpi eq, %add3A_340, %gather3A_284 : vector<16xi32>
          %and3A_342 = arith.andi %ge3A_327, %eq3A_341 : vector<16xi1>
          %jit3A_343 = arith.constant 5.000000e-01 : f32
          %jit3A_344 = arith.constant 0.000000e+00 : f32
          %broadcast_in_dim3A_345 = vector.broadcast %jit3A_343 : f32 to vector<16xf32>
          %broadcast_in_dim3A_346 = vector.broadcast %jit3A_344 : f32 to vector<16xf32>
          %select_n3A_347 = arith.select %and3A_342, %broadcast_in_dim3A_345, %broadcast_in_dim3A_346 : vector<16xi1>, vector<16xf32>
          %eq3A_348 = arith.cmpi eq, %add3A_340, %gather3A_287 : vector<16xi32>
          %and3A_349 = arith.andi %ge3A_327, %eq3A_348 : vector<16xi1>
          %jit3A_350 = arith.constant 5.000000e-01 : f32
          %jit3A_351 = arith.constant 0.000000e+00 : f32
          %broadcast_in_dim3A_352 = vector.broadcast %jit3A_350 : f32 to vector<16xf32>
          %broadcast_in_dim3A_353 = vector.broadcast %jit3A_351 : f32 to vector<16xf32>
          %select_n3A_354 = arith.select %and3A_349, %broadcast_in_dim3A_352, %broadcast_in_dim3A_353 : vector<16xi1>, vector<16xf32>
          %add3A_355 = arith.addf %select_n3A_347, %select_n3A_354 : vector<16xf32>
          %all_reduce_population_count3A = tpu.all_reduce %ge3A_327 {dim = 0 : i64, kind = #tpu.reduction_kind<sum>} : vector<16xi1> -> vector<16xi32>
          %add3A_356 = arith.addi %while3A_321, %all_reduce_population_count3A : vector<16xi32>
          %mul3A_357 = arith.mulf %get3A_331, %add3A_355 : vector<16xf32>
          %add3A_358 = arith.addf %while3A_322, %mul3A_357 : vector<16xf32>
          scf.yield %add3A_356, %add3A_358 : vector<16xi32>, vector<16xf32>
        }
        %while3A_300 = arith.constant 1 : i32
        %while3A_301:2 = scf.for %while3A_320 = %while3A_297 to %while3A_293 step %while3A_300 iter_args(%while3A_321 = %while3A_299#0, %while3A_322 = %while3A_299#1) -> (vector<16xi32>, vector<16xf32>)  : i32 {
          %mul3A_323 = arith.constant 16 : i32
          %mul3A_324 = arith.muli %while3A_320, %mul3A_323 : i32
          %get3A_325 = arith.index_cast %mul3A_324 : i32 to index
          %get3A_326 = tpu.vector_load %arg11[%get3A_325] {strides = array<i32>} : memref<4112xi32, #tpu.memory_space<vmem>>, vector<16xi32>,
          %ge3A_327 = arith.cmpi sge, %get3A_326, %broadcast_in_dim3A_277 : vector<16xi32>
          %mul3A_328 = arith.constant 16 : i32
          %mul3A_329 = arith.muli %while3A_320, %mul3A_328 : i32
          %get3A_330 = arith.index_cast %mul3A_329 : i32 to index
          %get3A_331 = tpu.vector_load %arg12[%get3A_330] {strides = array<i32>} : memref<4112xf32, #tpu.memory_space<vmem>>, vector<16xf32>,
          %jit3A_332 = arith.constant 1 : i32
          %jit3A_333 = arith.constant 0 : i32
          %broadcast_in_dim3A_334 = vector.broadcast %jit3A_332 : i32 to vector<16xi32>
          %broadcast_in_dim3A_335 = vector.broadcast %jit3A_333 : i32 to vector<16xi32>
          %select_n3A_336 = arith.select %ge3A_327, %broadcast_in_dim3A_334, %broadcast_in_dim3A_335 : vector<16xi1>, vector<16xi32>
          %broadcast_in_dim3A_337 = arith.constant true
          %broadcast_in_dim3A_338 = vector.broadcast %broadcast_in_dim3A_337 : i1 to vector<16xi1>
          %masked_cumsum3A_339 = tpu.scan <sum>, %select_n3A_336 masked %broadcast_in_dim3A_338 : vector<16xi32>, vector<16xi1> -> vector<16xi32>
          %add3A_340 = arith.addi %masked_cumsum3A_339, %while3A_321 : vector<16xi32>
          %eq3A_341 = arith.cmpi eq, %add3A_340, %gather3A_284 : vector<16xi32>
          %and3A_342 = arith.andi %ge3A_327, %eq3A_341 : vector<16xi1>
          %jit3A_343 = arith.constant 5.000000e-01 : f32
          %jit3A_344 = arith.constant 0.000000e+00 : f32
          %broadcast_in_dim3A_345 = vector.broadcast %jit3A_343 : f32 to vector<16xf32>
          %broadcast_in_dim3A_346 = vector.broadcast %jit3A_344 : f32 to vector<16xf32>
          %select_n3A_347 = arith.select %and3A_342, %broadcast_in_dim3A_345, %broadcast_in_dim3A_346 : vector<16xi1>, vector<16xf32>
          %eq3A_348 = arith.cmpi eq, %add3A_340, %gather3A_287 : vector<16xi32>
          %and3A_349 = arith.andi %ge3A_327, %eq3A_348 : vector<16xi1>
          %jit3A_350 = arith.constant 5.000000e-01 : f32
          %jit3A_351 = arith.constant 0.000000e+00 : f32
          %broadcast_in_dim3A_352 = vector.broadcast %jit3A_350 : f32 to vector<16xf32>
          %broadcast_in_dim3A_353 = vector.broadcast %jit3A_351 : f32 to vector<16xf32>
          %select_n3A_354 = arith.select %and3A_349, %broadcast_in_dim3A_352, %broadcast_in_dim3A_353 : vector<16xi1>, vector<16xf32>
          %add3A_355 = arith.addf %select_n3A_347, %select_n3A_354 : vector<16xf32>
          %all_reduce_population_count3A = tpu.all_reduce %ge3A_327 {dim = 0 : i64, kind = #tpu.reduction_kind<sum>} : vector<16xi1> -> vector<16xi32>
          %add3A_356 = arith.addi %while3A_321, %all_reduce_population_count3A : vector<16xi32>
          %mul3A_357 = arith.mulf %get3A_331, %add3A_355 : vector<16xf32>
          %add3A_358 = arith.addf %while3A_322, %mul3A_357 : vector<16xf32>
          scf.yield %add3A_356, %add3A_358 : vector<16xi32>, vector<16xf32>
        }
        %reduce_sum3A = arith.constant true
        %reduce_sum3A_302 = vector.broadcast %reduce_sum3A : i1 to vector<16xi1>
        %reduce_sum3A_303 = tpu.scan <sum>, %while3A_301#1 masked %reduce_sum3A_302 : vector<16xf32>, vector<16xi1> -> vector<16xf32>
        %reduce_sum3A_304 = vector.extract %reduce_sum3A_303[15] : f32 from vector<16xf32>
        %broadcast_in_dim3A_305 = vector.broadcast %reduce_sum3A_304 : f32 to vector<16xf32>
        %gt3A = arith.constant 0 : i32
        %gt3A_306 = vector.broadcast %gt3A : i32 to vector<16xi32>
        %gt3A_307 = arith.cmpi sgt, %gather3A_281, %gt3A_306 : vector<16xi32>
        %sub3A_308 = arith.constant -3.200000e+01 : f32
        %sub3A_309 = vector.broadcast %sub3A_308 : f32 to vector<16xf32>
        %sub3A_310 = arith.subf %broadcast_in_dim3A_305, %sub3A_309 : vector<16xf32>
        %mul3A_311 = arith.constant 1.562500e-02 : f32
        %mul3A_312 = vector.broadcast %mul3A_311 : f32 to vector<16xf32>
        %mul3A_313 = arith.mulf %sub3A_310, %mul3A_312 : vector<16xf32>
        %jit3A_314 = arith.constant 0.000000e+00 : f32
        %broadcast_in_dim3A_315 = vector.broadcast %jit3A_314 : f32 to vector<16xf32>
        %select_n3A_316 = arith.select %gt3A_307, %mul3A_313, %broadcast_in_dim3A_315 : vector<16xi1>, vector<16xf32>
        %eq3A_317 = vector.broadcast %scan3A_273 : i32 to vector<16xi32>
        %eq3A_318 = arith.cmpi eq, %iota3A, %eq3A_317 : vector<16xi32>
        %select_n3A_319 = arith.select %eq3A_318, %select_n3A_316, %scan3A_274 : vector<16xi1>, vector<16xf32>
        scf.yield %select_n3A_319 : vector<16xf32>
      }
      %scan3A_194 = arith.constant 16 : i32
      %swap3A_195 = arith.constant 0 : index
      %swap3A_196 = tpu.vector_load %arg13[%swap3A_195] {strides = array<i32>} : memref<64xf32, #tpu.memory_space<vmem>>, vector<16xf32>,
      tpu.vector_store %arg13[%swap3A_195], %scan3A_193 {strides = array<i32>} : memref<64xf32, #tpu.memory_space<vmem>>, vector<16xf32>,
      %sub3A_197 = arith.constant 1 : i32
      %sub3A_198 = vector.broadcast %sub3A_197 : i32 to vector<16xi32>
      %sub3A_199 = arith.subi %add3A_144, %sub3A_198 : vector<16xi32>
      %shift_right_arithmetic3A_200 = arith.constant 1 : i32
      %shift_right_arithmetic3A_201 = vector.broadcast %shift_right_arithmetic3A_200 : i32 to vector<16xi32>
      %shift_right_arithmetic3A_202 = arith.shrsi %sub3A_199, %shift_right_arithmetic3A_201 : vector<16xi32>
      %add3A_203 = arith.constant 1 : i32
      %add3A_204 = vector.broadcast %add3A_203 : i32 to vector<16xi32>
      %add3A_205 = arith.addi %shift_right_arithmetic3A_202, %add3A_204 : vector<16xi32>
      %shift_right_arithmetic3A_206 = arith.constant 1 : i32
      %shift_right_arithmetic3A_207 = vector.broadcast %shift_right_arithmetic3A_206 : i32 to vector<16xi32>
      %shift_right_arithmetic3A_208 = arith.shrsi %add3A_144, %shift_right_arithmetic3A_207 : vector<16xi32>
      %add3A_209 = arith.constant 1 : i32
      %add3A_210 = vector.broadcast %add3A_209 : i32 to vector<16xi32>
      %add3A_211 = arith.addi %shift_right_arithmetic3A_208, %add3A_210 : vector<16xi32>
      %broadcast_in_dim3A_212 = arith.constant 0.000000e+00 : f32
      %broadcast_in_dim3A_213 = vector.broadcast %broadcast_in_dim3A_212 : f32 to vector<16xf32>
      %scan3A_214 = arith.constant 0 : i32
      %scan3A_215 = arith.constant 16 : i32
      %scan3A_216 = arith.addi %scan3A_214, %scan3A_215 : i32
      %scan3A_217 = arith.constant 1 : i32
      %scan3A_218 = scf.for %scan3A_273 = %scan3A_214 to %scan3A_216 step %scan3A_217 iter_args(%scan3A_274 = %broadcast_in_dim3A_213) -> (vector<16xf32>)  : i32 {
        %add3A_275 = arith.constant 16 : i32
        %add3A_276 = arith.addi %add3A_275, %scan3A_273 : i32
        %broadcast_in_dim3A_277 = vector.broadcast %add3A_276 : i32 to vector<16xi32>
        %broadcast_in_dim3A_278 = vector.broadcast %scan3A_273 : i32 to vector<16xi32>
        %broadcast_in_dim3A_279 = vector.shape_cast %broadcast_in_dim3A_278 : vector<16xi32> to vector<16x1xi32>
        %gather3A_280 = vector.shape_cast %broadcast_in_dim3A_279 : vector<16x1xi32> to vector<16xi32>
        %gather3A_281 = tpu.dynamic_gather %add3A_144[%gather3A_280] in [0] : vector<16xi32>, vector<16xi32> -> vector<16xi32>
        %broadcast_in_dim3A_282 = vector.shape_cast %broadcast_in_dim3A_278 : vector<16xi32> to vector<16x1xi32>
        %gather3A_283 = vector.shape_cast %broadcast_in_dim3A_282 : vector<16x1xi32> to vector<16xi32>
        %gather3A_284 = tpu.dynamic_gather %add3A_205[%gather3A_283] in [0] : vector<16xi32>, vector<16xi32> -> vector<16xi32>
        %broadcast_in_dim3A_285 = vector.shape_cast %broadcast_in_dim3A_278 : vector<16xi32> to vector<16x1xi32>
        %gather3A_286 = vector.shape_cast %broadcast_in_dim3A_285 : vector<16x1xi32> to vector<16xi32>
        %gather3A_287 = tpu.dynamic_gather %add3A_211[%gather3A_286] in [0] : vector<16xi32>, vector<16xi32> -> vector<16xi32>
        %broadcast_in_dim3A_288 = arith.constant 0 : i32
        %broadcast_in_dim3A_289 = vector.broadcast %broadcast_in_dim3A_288 : i32 to vector<16xi32>
        %broadcast_in_dim3A_290 = arith.constant 0.000000e+00 : f32
        %broadcast_in_dim3A_291 = vector.broadcast %broadcast_in_dim3A_290 : f32 to vector<16xf32>
        %while3A = arith.constant 0 : i32
        %while3A_292 = arith.subi %select_n3A_85, %while3A : i32
        %while3A_293 = arith.addi %while3A, %while3A_292 : i32
        %while3A_294 = arith.constant 1 : i32
        %while3A_295 = arith.divsi %while3A_292, %while3A_294 : i32
        %while3A_296 = arith.muli %while3A_295, %while3A_294 : i32
        %while3A_297 = arith.addi %while3A, %while3A_296 : i32
        %while3A_298 = arith.constant 1 : i32
        %while3A_299:2 = scf.for %while3A_320 = %while3A to %while3A_297 step %while3A_298 iter_args(%while3A_321 = %broadcast_in_dim3A_289, %while3A_322 = %broadcast_in_dim3A_291) -> (vector<16xi32>, vector<16xf32>)  : i32 {
          %mul3A_323 = arith.constant 16 : i32
          %mul3A_324 = arith.muli %while3A_320, %mul3A_323 : i32
          %get3A_325 = arith.index_cast %mul3A_324 : i32 to index
          %get3A_326 = tpu.vector_load %arg11[%get3A_325] {strides = array<i32>} : memref<4112xi32, #tpu.memory_space<vmem>>, vector<16xi32>,
          %ge3A_327 = arith.cmpi sge, %get3A_326, %broadcast_in_dim3A_277 : vector<16xi32>
          %mul3A_328 = arith.constant 16 : i32
          %mul3A_329 = arith.muli %while3A_320, %mul3A_328 : i32
          %get3A_330 = arith.index_cast %mul3A_329 : i32 to index
          %get3A_331 = tpu.vector_load %arg12[%get3A_330] {strides = array<i32>} : memref<4112xf32, #tpu.memory_space<vmem>>, vector<16xf32>,
          %jit3A_332 = arith.constant 1 : i32
          %jit3A_333 = arith.constant 0 : i32
          %broadcast_in_dim3A_334 = vector.broadcast %jit3A_332 : i32 to vector<16xi32>
          %broadcast_in_dim3A_335 = vector.broadcast %jit3A_333 : i32 to vector<16xi32>
          %select_n3A_336 = arith.select %ge3A_327, %broadcast_in_dim3A_334, %broadcast_in_dim3A_335 : vector<16xi1>, vector<16xi32>
          %broadcast_in_dim3A_337 = arith.constant true
          %broadcast_in_dim3A_338 = vector.broadcast %broadcast_in_dim3A_337 : i1 to vector<16xi1>
          %masked_cumsum3A_339 = tpu.scan <sum>, %select_n3A_336 masked %broadcast_in_dim3A_338 : vector<16xi32>, vector<16xi1> -> vector<16xi32>
          %add3A_340 = arith.addi %masked_cumsum3A_339, %while3A_321 : vector<16xi32>
          %eq3A_341 = arith.cmpi eq, %add3A_340, %gather3A_284 : vector<16xi32>
          %and3A_342 = arith.andi %ge3A_327, %eq3A_341 : vector<16xi1>
          %jit3A_343 = arith.constant 5.000000e-01 : f32
          %jit3A_344 = arith.constant 0.000000e+00 : f32
          %broadcast_in_dim3A_345 = vector.broadcast %jit3A_343 : f32 to vector<16xf32>
          %broadcast_in_dim3A_346 = vector.broadcast %jit3A_344 : f32 to vector<16xf32>
          %select_n3A_347 = arith.select %and3A_342, %broadcast_in_dim3A_345, %broadcast_in_dim3A_346 : vector<16xi1>, vector<16xf32>
          %eq3A_348 = arith.cmpi eq, %add3A_340, %gather3A_287 : vector<16xi32>
          %and3A_349 = arith.andi %ge3A_327, %eq3A_348 : vector<16xi1>
          %jit3A_350 = arith.constant 5.000000e-01 : f32
          %jit3A_351 = arith.constant 0.000000e+00 : f32
          %broadcast_in_dim3A_352 = vector.broadcast %jit3A_350 : f32 to vector<16xf32>
          %broadcast_in_dim3A_353 = vector.broadcast %jit3A_351 : f32 to vector<16xf32>
          %select_n3A_354 = arith.select %and3A_349, %broadcast_in_dim3A_352, %broadcast_in_dim3A_353 : vector<16xi1>, vector<16xf32>
          %add3A_355 = arith.addf %select_n3A_347, %select_n3A_354 : vector<16xf32>
          %all_reduce_population_count3A = tpu.all_reduce %ge3A_327 {dim = 0 : i64, kind = #tpu.reduction_kind<sum>} : vector<16xi1> -> vector<16xi32>
          %add3A_356 = arith.addi %while3A_321, %all_reduce_population_count3A : vector<16xi32>
          %mul3A_357 = arith.mulf %get3A_331, %add3A_355 : vector<16xf32>
          %add3A_358 = arith.addf %while3A_322, %mul3A_357 : vector<16xf32>
          scf.yield %add3A_356, %add3A_358 : vector<16xi32>, vector<16xf32>
        }
        %while3A_300 = arith.constant 1 : i32
        %while3A_301:2 = scf.for %while3A_320 = %while3A_297 to %while3A_293 step %while3A_300 iter_args(%while3A_321 = %while3A_299#0, %while3A_322 = %while3A_299#1) -> (vector<16xi32>, vector<16xf32>)  : i32 {
          %mul3A_323 = arith.constant 16 : i32
          %mul3A_324 = arith.muli %while3A_320, %mul3A_323 : i32
          %get3A_325 = arith.index_cast %mul3A_324 : i32 to index
          %get3A_326 = tpu.vector_load %arg11[%get3A_325] {strides = array<i32>} : memref<4112xi32, #tpu.memory_space<vmem>>, vector<16xi32>,
          %ge3A_327 = arith.cmpi sge, %get3A_326, %broadcast_in_dim3A_277 : vector<16xi32>
          %mul3A_328 = arith.constant 16 : i32
          %mul3A_329 = arith.muli %while3A_320, %mul3A_328 : i32
          %get3A_330 = arith.index_cast %mul3A_329 : i32 to index
          %get3A_331 = tpu.vector_load %arg12[%get3A_330] {strides = array<i32>} : memref<4112xf32, #tpu.memory_space<vmem>>, vector<16xf32>,
          %jit3A_332 = arith.constant 1 : i32
          %jit3A_333 = arith.constant 0 : i32
          %broadcast_in_dim3A_334 = vector.broadcast %jit3A_332 : i32 to vector<16xi32>
          %broadcast_in_dim3A_335 = vector.broadcast %jit3A_333 : i32 to vector<16xi32>
          %select_n3A_336 = arith.select %ge3A_327, %broadcast_in_dim3A_334, %broadcast_in_dim3A_335 : vector<16xi1>, vector<16xi32>
          %broadcast_in_dim3A_337 = arith.constant true
          %broadcast_in_dim3A_338 = vector.broadcast %broadcast_in_dim3A_337 : i1 to vector<16xi1>
          %masked_cumsum3A_339 = tpu.scan <sum>, %select_n3A_336 masked %broadcast_in_dim3A_338 : vector<16xi32>, vector<16xi1> -> vector<16xi32>
          %add3A_340 = arith.addi %masked_cumsum3A_339, %while3A_321 : vector<16xi32>
          %eq3A_341 = arith.cmpi eq, %add3A_340, %gather3A_284 : vector<16xi32>
          %and3A_342 = arith.andi %ge3A_327, %eq3A_341 : vector<16xi1>
          %jit3A_343 = arith.constant 5.000000e-01 : f32
          %jit3A_344 = arith.constant 0.000000e+00 : f32
          %broadcast_in_dim3A_345 = vector.broadcast %jit3A_343 : f32 to vector<16xf32>
          %broadcast_in_dim3A_346 = vector.broadcast %jit3A_344 : f32 to vector<16xf32>
          %select_n3A_347 = arith.select %and3A_342, %broadcast_in_dim3A_345, %broadcast_in_dim3A_346 : vector<16xi1>, vector<16xf32>
          %eq3A_348 = arith.cmpi eq, %add3A_340, %gather3A_287 : vector<16xi32>
          %and3A_349 = arith.andi %ge3A_327, %eq3A_348 : vector<16xi1>
          %jit3A_350 = arith.constant 5.000000e-01 : f32
          %jit3A_351 = arith.constant 0.000000e+00 : f32
          %broadcast_in_dim3A_352 = vector.broadcast %jit3A_350 : f32 to vector<16xf32>
          %broadcast_in_dim3A_353 = vector.broadcast %jit3A_351 : f32 to vector<16xf32>
          %select_n3A_354 = arith.select %and3A_349, %broadcast_in_dim3A_352, %broadcast_in_dim3A_353 : vector<16xi1>, vector<16xf32>
          %add3A_355 = arith.addf %select_n3A_347, %select_n3A_354 : vector<16xf32>
          %all_reduce_population_count3A = tpu.all_reduce %ge3A_327 {dim = 0 : i64, kind = #tpu.reduction_kind<sum>} : vector<16xi1> -> vector<16xi32>
          %add3A_356 = arith.addi %while3A_321, %all_reduce_population_count3A : vector<16xi32>
          %mul3A_357 = arith.mulf %get3A_331, %add3A_355 : vector<16xf32>
          %add3A_358 = arith.addf %while3A_322, %mul3A_357 : vector<16xf32>
          scf.yield %add3A_356, %add3A_358 : vector<16xi32>, vector<16xf32>
        }
        %reduce_sum3A = arith.constant true
        %reduce_sum3A_302 = vector.broadcast %reduce_sum3A : i1 to vector<16xi1>
        %reduce_sum3A_303 = tpu.scan <sum>, %while3A_301#1 masked %reduce_sum3A_302 : vector<16xf32>, vector<16xi1> -> vector<16xf32>
        %reduce_sum3A_304 = vector.extract %reduce_sum3A_303[15] : f32 from vector<16xf32>
        %broadcast_in_dim3A_305 = vector.broadcast %reduce_sum3A_304 : f32 to vector<16xf32>
        %gt3A = arith.constant 0 : i32
        %gt3A_306 = vector.broadcast %gt3A : i32 to vector<16xi32>
        %gt3A_307 = arith.cmpi sgt, %gather3A_281, %gt3A_306 : vector<16xi32>
        %sub3A_308 = arith.constant -3.200000e+01 : f32
        %sub3A_309 = vector.broadcast %sub3A_308 : f32 to vector<16xf32>
        %sub3A_310 = arith.subf %broadcast_in_dim3A_305, %sub3A_309 : vector<16xf32>
        %mul3A_311 = arith.constant 1.562500e-02 : f32
        %mul3A_312 = vector.broadcast %mul3A_311 : f32 to vector<16xf32>
        %mul3A_313 = arith.mulf %sub3A_310, %mul3A_312 : vector<16xf32>
        %jit3A_314 = arith.constant 0.000000e+00 : f32
        %broadcast_in_dim3A_315 = vector.broadcast %jit3A_314 : f32 to vector<16xf32>
        %select_n3A_316 = arith.select %gt3A_307, %mul3A_313, %broadcast_in_dim3A_315 : vector<16xi1>, vector<16xf32>
        %eq3A_317 = vector.broadcast %scan3A_273 : i32 to vector<16xi32>
        %eq3A_318 = arith.cmpi eq, %iota3A, %eq3A_317 : vector<16xi32>
        %select_n3A_319 = arith.select %eq3A_318, %select_n3A_316, %scan3A_274 : vector<16xi1>, vector<16xf32>
        scf.yield %select_n3A_319 : vector<16xf32>
      }
      %scan3A_219 = arith.constant 16 : i32
      %swap3A_220 = arith.constant 16 : index
      %swap3A_221 = tpu.vector_load %arg13[%swap3A_220] {strides = array<i32>} : memref<64xf32, #tpu.memory_space<vmem>>, vector<16xf32>,
      tpu.vector_store %arg13[%swap3A_220], %scan3A_218 {strides = array<i32>} : memref<64xf32, #tpu.memory_space<vmem>>, vector<16xf32>,
      %sub3A_222 = arith.constant 1 : i32
      %sub3A_223 = vector.broadcast %sub3A_222 : i32 to vector<16xi32>
      %sub3A_224 = arith.subi %add3A_122, %sub3A_223 : vector<16xi32>
      %shift_right_arithmetic3A_225 = arith.constant 1 : i32
      %shift_right_arithmetic3A_226 = vector.broadcast %shift_right_arithmetic3A_225 : i32 to vector<16xi32>
      %shift_right_arithmetic3A_227 = arith.shrsi %sub3A_224, %shift_right_arithmetic3A_226 : vector<16xi32>
      %add3A_228 = arith.constant 1 : i32
      %add3A_229 = vector.broadcast %add3A_228 : i32 to vector<16xi32>
      %add3A_230 = arith.addi %shift_right_arithmetic3A_227, %add3A_229 : vector<16xi32>
      %shift_right_arithmetic3A_231 = arith.constant 1 : i32
      %shift_right_arithmetic3A_232 = vector.broadcast %shift_right_arithmetic3A_231 : i32 to vector<16xi32>
      %shift_right_arithmetic3A_233 = arith.shrsi %add3A_122, %shift_right_arithmetic3A_232 : vector<16xi32>
      %add3A_234 = arith.constant 1 : i32
      %add3A_235 = vector.broadcast %add3A_234 : i32 to vector<16xi32>
      %add3A_236 = arith.addi %shift_right_arithmetic3A_233, %add3A_235 : vector<16xi32>
      %broadcast_in_dim3A_237 = arith.constant 0.000000e+00 : f32
      %broadcast_in_dim3A_238 = vector.broadcast %broadcast_in_dim3A_237 : f32 to vector<16xf32>
      %scan3A_239 = arith.constant 0 : i32
      %scan3A_240 = arith.constant 16 : i32
      %scan3A_241 = arith.addi %scan3A_239, %scan3A_240 : i32
      %scan3A_242 = arith.constant 1 : i32
      %scan3A_243 = scf.for %scan3A_273 = %scan3A_239 to %scan3A_241 step %scan3A_242 iter_args(%scan3A_274 = %broadcast_in_dim3A_238) -> (vector<16xf32>)  : i32 {
        %add3A_275 = arith.constant 32 : i32
        %add3A_276 = arith.addi %add3A_275, %scan3A_273 : i32
        %broadcast_in_dim3A_277 = vector.broadcast %add3A_276 : i32 to vector<16xi32>
        %broadcast_in_dim3A_278 = vector.broadcast %scan3A_273 : i32 to vector<16xi32>
        %broadcast_in_dim3A_279 = vector.shape_cast %broadcast_in_dim3A_278 : vector<16xi32> to vector<16x1xi32>
        %gather3A_280 = vector.shape_cast %broadcast_in_dim3A_279 : vector<16x1xi32> to vector<16xi32>
        %gather3A_281 = tpu.dynamic_gather %add3A_122[%gather3A_280] in [0] : vector<16xi32>, vector<16xi32> -> vector<16xi32>
        %broadcast_in_dim3A_282 = vector.shape_cast %broadcast_in_dim3A_278 : vector<16xi32> to vector<16x1xi32>
        %gather3A_283 = vector.shape_cast %broadcast_in_dim3A_282 : vector<16x1xi32> to vector<16xi32>
        %gather3A_284 = tpu.dynamic_gather %add3A_230[%gather3A_283] in [0] : vector<16xi32>, vector<16xi32> -> vector<16xi32>
        %broadcast_in_dim3A_285 = vector.shape_cast %broadcast_in_dim3A_278 : vector<16xi32> to vector<16x1xi32>
        %gather3A_286 = vector.shape_cast %broadcast_in_dim3A_285 : vector<16x1xi32> to vector<16xi32>
        %gather3A_287 = tpu.dynamic_gather %add3A_236[%gather3A_286] in [0] : vector<16xi32>, vector<16xi32> -> vector<16xi32>
        %broadcast_in_dim3A_288 = arith.constant 0 : i32
        %broadcast_in_dim3A_289 = vector.broadcast %broadcast_in_dim3A_288 : i32 to vector<16xi32>
        %broadcast_in_dim3A_290 = arith.constant 0.000000e+00 : f32
        %broadcast_in_dim3A_291 = vector.broadcast %broadcast_in_dim3A_290 : f32 to vector<16xf32>
        %while3A = arith.constant 0 : i32
        %while3A_292 = arith.subi %select_n3A_85, %while3A : i32
        %while3A_293 = arith.addi %while3A, %while3A_292 : i32
        %while3A_294 = arith.constant 1 : i32
        %while3A_295 = arith.divsi %while3A_292, %while3A_294 : i32
        %while3A_296 = arith.muli %while3A_295, %while3A_294 : i32
        %while3A_297 = arith.addi %while3A, %while3A_296 : i32
        %while3A_298 = arith.constant 1 : i32
        %while3A_299:2 = scf.for %while3A_320 = %while3A to %while3A_297 step %while3A_298 iter_args(%while3A_321 = %broadcast_in_dim3A_289, %while3A_322 = %broadcast_in_dim3A_291) -> (vector<16xi32>, vector<16xf32>)  : i32 {
          %mul3A_323 = arith.constant 16 : i32
          %mul3A_324 = arith.muli %while3A_320, %mul3A_323 : i32
          %get3A_325 = arith.index_cast %mul3A_324 : i32 to index
          %get3A_326 = tpu.vector_load %arg11[%get3A_325] {strides = array<i32>} : memref<4112xi32, #tpu.memory_space<vmem>>, vector<16xi32>,
          %ge3A_327 = arith.cmpi sge, %get3A_326, %broadcast_in_dim3A_277 : vector<16xi32>
          %mul3A_328 = arith.constant 16 : i32
          %mul3A_329 = arith.muli %while3A_320, %mul3A_328 : i32
          %get3A_330 = arith.index_cast %mul3A_329 : i32 to index
          %get3A_331 = tpu.vector_load %arg12[%get3A_330] {strides = array<i32>} : memref<4112xf32, #tpu.memory_space<vmem>>, vector<16xf32>,
          %jit3A_332 = arith.constant 1 : i32
          %jit3A_333 = arith.constant 0 : i32
          %broadcast_in_dim3A_334 = vector.broadcast %jit3A_332 : i32 to vector<16xi32>
          %broadcast_in_dim3A_335 = vector.broadcast %jit3A_333 : i32 to vector<16xi32>
          %select_n3A_336 = arith.select %ge3A_327, %broadcast_in_dim3A_334, %broadcast_in_dim3A_335 : vector<16xi1>, vector<16xi32>
          %broadcast_in_dim3A_337 = arith.constant true
          %broadcast_in_dim3A_338 = vector.broadcast %broadcast_in_dim3A_337 : i1 to vector<16xi1>
          %masked_cumsum3A_339 = tpu.scan <sum>, %select_n3A_336 masked %broadcast_in_dim3A_338 : vector<16xi32>, vector<16xi1> -> vector<16xi32>
          %add3A_340 = arith.addi %masked_cumsum3A_339, %while3A_321 : vector<16xi32>
          %eq3A_341 = arith.cmpi eq, %add3A_340, %gather3A_284 : vector<16xi32>
          %and3A_342 = arith.andi %ge3A_327, %eq3A_341 : vector<16xi1>
          %jit3A_343 = arith.constant 5.000000e-01 : f32
          %jit3A_344 = arith.constant 0.000000e+00 : f32
          %broadcast_in_dim3A_345 = vector.broadcast %jit3A_343 : f32 to vector<16xf32>
          %broadcast_in_dim3A_346 = vector.broadcast %jit3A_344 : f32 to vector<16xf32>
          %select_n3A_347 = arith.select %and3A_342, %broadcast_in_dim3A_345, %broadcast_in_dim3A_346 : vector<16xi1>, vector<16xf32>
          %eq3A_348 = arith.cmpi eq, %add3A_340, %gather3A_287 : vector<16xi32>
          %and3A_349 = arith.andi %ge3A_327, %eq3A_348 : vector<16xi1>
          %jit3A_350 = arith.constant 5.000000e-01 : f32
          %jit3A_351 = arith.constant 0.000000e+00 : f32
          %broadcast_in_dim3A_352 = vector.broadcast %jit3A_350 : f32 to vector<16xf32>
          %broadcast_in_dim3A_353 = vector.broadcast %jit3A_351 : f32 to vector<16xf32>
          %select_n3A_354 = arith.select %and3A_349, %broadcast_in_dim3A_352, %broadcast_in_dim3A_353 : vector<16xi1>, vector<16xf32>
          %add3A_355 = arith.addf %select_n3A_347, %select_n3A_354 : vector<16xf32>
          %all_reduce_population_count3A = tpu.all_reduce %ge3A_327 {dim = 0 : i64, kind = #tpu.reduction_kind<sum>} : vector<16xi1> -> vector<16xi32>
          %add3A_356 = arith.addi %while3A_321, %all_reduce_population_count3A : vector<16xi32>
          %mul3A_357 = arith.mulf %get3A_331, %add3A_355 : vector<16xf32>
          %add3A_358 = arith.addf %while3A_322, %mul3A_357 : vector<16xf32>
          scf.yield %add3A_356, %add3A_358 : vector<16xi32>, vector<16xf32>
        }
        %while3A_300 = arith.constant 1 : i32
        %while3A_301:2 = scf.for %while3A_320 = %while3A_297 to %while3A_293 step %while3A_300 iter_args(%while3A_321 = %while3A_299#0, %while3A_322 = %while3A_299#1) -> (vector<16xi32>, vector<16xf32>)  : i32 {
          %mul3A_323 = arith.constant 16 : i32
          %mul3A_324 = arith.muli %while3A_320, %mul3A_323 : i32
          %get3A_325 = arith.index_cast %mul3A_324 : i32 to index
          %get3A_326 = tpu.vector_load %arg11[%get3A_325] {strides = array<i32>} : memref<4112xi32, #tpu.memory_space<vmem>>, vector<16xi32>,
          %ge3A_327 = arith.cmpi sge, %get3A_326, %broadcast_in_dim3A_277 : vector<16xi32>
          %mul3A_328 = arith.constant 16 : i32
          %mul3A_329 = arith.muli %while3A_320, %mul3A_328 : i32
          %get3A_330 = arith.index_cast %mul3A_329 : i32 to index
          %get3A_331 = tpu.vector_load %arg12[%get3A_330] {strides = array<i32>} : memref<4112xf32, #tpu.memory_space<vmem>>, vector<16xf32>,
          %jit3A_332 = arith.constant 1 : i32
          %jit3A_333 = arith.constant 0 : i32
          %broadcast_in_dim3A_334 = vector.broadcast %jit3A_332 : i32 to vector<16xi32>
          %broadcast_in_dim3A_335 = vector.broadcast %jit3A_333 : i32 to vector<16xi32>
          %select_n3A_336 = arith.select %ge3A_327, %broadcast_in_dim3A_334, %broadcast_in_dim3A_335 : vector<16xi1>, vector<16xi32>
          %broadcast_in_dim3A_337 = arith.constant true
          %broadcast_in_dim3A_338 = vector.broadcast %broadcast_in_dim3A_337 : i1 to vector<16xi1>
          %masked_cumsum3A_339 = tpu.scan <sum>, %select_n3A_336 masked %broadcast_in_dim3A_338 : vector<16xi32>, vector<16xi1> -> vector<16xi32>
          %add3A_340 = arith.addi %masked_cumsum3A_339, %while3A_321 : vector<16xi32>
          %eq3A_341 = arith.cmpi eq, %add3A_340, %gather3A_284 : vector<16xi32>
          %and3A_342 = arith.andi %ge3A_327, %eq3A_341 : vector<16xi1>
          %jit3A_343 = arith.constant 5.000000e-01 : f32
          %jit3A_344 = arith.constant 0.000000e+00 : f32
          %broadcast_in_dim3A_345 = vector.broadcast %jit3A_343 : f32 to vector<16xf32>
          %broadcast_in_dim3A_346 = vector.broadcast %jit3A_344 : f32 to vector<16xf32>
          %select_n3A_347 = arith.select %and3A_342, %broadcast_in_dim3A_345, %broadcast_in_dim3A_346 : vector<16xi1>, vector<16xf32>
          %eq3A_348 = arith.cmpi eq, %add3A_340, %gather3A_287 : vector<16xi32>
          %and3A_349 = arith.andi %ge3A_327, %eq3A_348 : vector<16xi1>
          %jit3A_350 = arith.constant 5.000000e-01 : f32
          %jit3A_351 = arith.constant 0.000000e+00 : f32
          %broadcast_in_dim3A_352 = vector.broadcast %jit3A_350 : f32 to vector<16xf32>
          %broadcast_in_dim3A_353 = vector.broadcast %jit3A_351 : f32 to vector<16xf32>
          %select_n3A_354 = arith.select %and3A_349, %broadcast_in_dim3A_352, %broadcast_in_dim3A_353 : vector<16xi1>, vector<16xf32>
          %add3A_355 = arith.addf %select_n3A_347, %select_n3A_354 : vector<16xf32>
          %all_reduce_population_count3A = tpu.all_reduce %ge3A_327 {dim = 0 : i64, kind = #tpu.reduction_kind<sum>} : vector<16xi1> -> vector<16xi32>
          %add3A_356 = arith.addi %while3A_321, %all_reduce_population_count3A : vector<16xi32>
          %mul3A_357 = arith.mulf %get3A_331, %add3A_355 : vector<16xf32>
          %add3A_358 = arith.addf %while3A_322, %mul3A_357 : vector<16xf32>
          scf.yield %add3A_356, %add3A_358 : vector<16xi32>, vector<16xf32>
        }
        %reduce_sum3A = arith.constant true
        %reduce_sum3A_302 = vector.broadcast %reduce_sum3A : i1 to vector<16xi1>
        %reduce_sum3A_303 = tpu.scan <sum>, %while3A_301#1 masked %reduce_sum3A_302 : vector<16xf32>, vector<16xi1> -> vector<16xf32>
        %reduce_sum3A_304 = vector.extract %reduce_sum3A_303[15] : f32 from vector<16xf32>
        %broadcast_in_dim3A_305 = vector.broadcast %reduce_sum3A_304 : f32 to vector<16xf32>
        %gt3A = arith.constant 0 : i32
        %gt3A_306 = vector.broadcast %gt3A : i32 to vector<16xi32>
        %gt3A_307 = arith.cmpi sgt, %gather3A_281, %gt3A_306 : vector<16xi32>
        %sub3A_308 = arith.constant -3.200000e+01 : f32
        %sub3A_309 = vector.broadcast %sub3A_308 : f32 to vector<16xf32>
        %sub3A_310 = arith.subf %broadcast_in_dim3A_305, %sub3A_309 : vector<16xf32>
        %mul3A_311 = arith.constant 1.562500e-02 : f32
        %mul3A_312 = vector.broadcast %mul3A_311 : f32 to vector<16xf32>
        %mul3A_313 = arith.mulf %sub3A_310, %mul3A_312 : vector<16xf32>
        %jit3A_314 = arith.constant 0.000000e+00 : f32
        %broadcast_in_dim3A_315 = vector.broadcast %jit3A_314 : f32 to vector<16xf32>
        %select_n3A_316 = arith.select %gt3A_307, %mul3A_313, %broadcast_in_dim3A_315 : vector<16xi1>, vector<16xf32>
        %eq3A_317 = vector.broadcast %scan3A_273 : i32 to vector<16xi32>
        %eq3A_318 = arith.cmpi eq, %iota3A, %eq3A_317 : vector<16xi32>
        %select_n3A_319 = arith.select %eq3A_318, %select_n3A_316, %scan3A_274 : vector<16xi1>, vector<16xf32>
        scf.yield %select_n3A_319 : vector<16xf32>
      }
      %scan3A_244 = arith.constant 16 : i32
      %swap3A_245 = arith.constant 32 : index
      %swap3A_246 = tpu.vector_load %arg13[%swap3A_245] {strides = array<i32>} : memref<64xf32, #tpu.memory_space<vmem>>, vector<16xf32>,
      tpu.vector_store %arg13[%swap3A_245], %scan3A_243 {strides = array<i32>} : memref<64xf32, #tpu.memory_space<vmem>>, vector<16xf32>,
      %sub3A_247 = arith.constant 1 : i32
      %sub3A_248 = vector.broadcast %sub3A_247 : i32 to vector<16xi32>
      %sub3A_249 = arith.subi %add3A_101, %sub3A_248 : vector<16xi32>
      %shift_right_arithmetic3A_250 = arith.constant 1 : i32
      %shift_right_arithmetic3A_251 = vector.broadcast %shift_right_arithmetic3A_250 : i32 to vector<16xi32>
      %shift_right_arithmetic3A_252 = arith.shrsi %sub3A_249, %shift_right_arithmetic3A_251 : vector<16xi32>
      %add3A_253 = arith.constant 1 : i32
      %add3A_254 = vector.broadcast %add3A_253 : i32 to vector<16xi32>
      %add3A_255 = arith.addi %shift_right_arithmetic3A_252, %add3A_254 : vector<16xi32>
      %shift_right_arithmetic3A_256 = arith.constant 1 : i32
      %shift_right_arithmetic3A_257 = vector.broadcast %shift_right_arithmetic3A_256 : i32 to vector<16xi32>
      %shift_right_arithmetic3A_258 = arith.shrsi %add3A_101, %shift_right_arithmetic3A_257 : vector<16xi32>
      %add3A_259 = arith.constant 1 : i32
      %add3A_260 = vector.broadcast %add3A_259 : i32 to vector<16xi32>
      %add3A_261 = arith.addi %shift_right_arithmetic3A_258, %add3A_260 : vector<16xi32>
      %broadcast_in_dim3A_262 = arith.constant 0.000000e+00 : f32
      %broadcast_in_dim3A_263 = vector.broadcast %broadcast_in_dim3A_262 : f32 to vector<16xf32>
      %scan3A_264 = arith.constant 0 : i32
      %scan3A_265 = arith.constant 16 : i32
      %scan3A_266 = arith.addi %scan3A_264, %scan3A_265 : i32
      %scan3A_267 = arith.constant 1 : i32
      %scan3A_268 = scf.for %scan3A_273 = %scan3A_264 to %scan3A_266 step %scan3A_267 iter_args(%scan3A_274 = %broadcast_in_dim3A_263) -> (vector<16xf32>)  : i32 {
        %add3A_275 = arith.constant 48 : i32
        %add3A_276 = arith.addi %add3A_275, %scan3A_273 : i32
        %broadcast_in_dim3A_277 = vector.broadcast %add3A_276 : i32 to vector<16xi32>
        %broadcast_in_dim3A_278 = vector.broadcast %scan3A_273 : i32 to vector<16xi32>
        %broadcast_in_dim3A_279 = vector.shape_cast %broadcast_in_dim3A_278 : vector<16xi32> to vector<16x1xi32>
        %gather3A_280 = vector.shape_cast %broadcast_in_dim3A_279 : vector<16x1xi32> to vector<16xi32>
        %gather3A_281 = tpu.dynamic_gather %add3A_101[%gather3A_280] in [0] : vector<16xi32>, vector<16xi32> -> vector<16xi32>
        %broadcast_in_dim3A_282 = vector.shape_cast %broadcast_in_dim3A_278 : vector<16xi32> to vector<16x1xi32>
        %gather3A_283 = vector.shape_cast %broadcast_in_dim3A_282 : vector<16x1xi32> to vector<16xi32>
        %gather3A_284 = tpu.dynamic_gather %add3A_255[%gather3A_283] in [0] : vector<16xi32>, vector<16xi32> -> vector<16xi32>
        %broadcast_in_dim3A_285 = vector.shape_cast %broadcast_in_dim3A_278 : vector<16xi32> to vector<16x1xi32>
        %gather3A_286 = vector.shape_cast %broadcast_in_dim3A_285 : vector<16x1xi32> to vector<16xi32>
        %gather3A_287 = tpu.dynamic_gather %add3A_261[%gather3A_286] in [0] : vector<16xi32>, vector<16xi32> -> vector<16xi32>
        %broadcast_in_dim3A_288 = arith.constant 0 : i32
        %broadcast_in_dim3A_289 = vector.broadcast %broadcast_in_dim3A_288 : i32 to vector<16xi32>
        %broadcast_in_dim3A_290 = arith.constant 0.000000e+00 : f32
        %broadcast_in_dim3A_291 = vector.broadcast %broadcast_in_dim3A_290 : f32 to vector<16xf32>
        %while3A = arith.constant 0 : i32
        %while3A_292 = arith.subi %select_n3A_85, %while3A : i32
        %while3A_293 = arith.addi %while3A, %while3A_292 : i32
        %while3A_294 = arith.constant 1 : i32
        %while3A_295 = arith.divsi %while3A_292, %while3A_294 : i32
        %while3A_296 = arith.muli %while3A_295, %while3A_294 : i32
        %while3A_297 = arith.addi %while3A, %while3A_296 : i32
        %while3A_298 = arith.constant 1 : i32
        %while3A_299:2 = scf.for %while3A_320 = %while3A to %while3A_297 step %while3A_298 iter_args(%while3A_321 = %broadcast_in_dim3A_289, %while3A_322 = %broadcast_in_dim3A_291) -> (vector<16xi32>, vector<16xf32>)  : i32 {
          %mul3A_323 = arith.constant 16 : i32
          %mul3A_324 = arith.muli %while3A_320, %mul3A_323 : i32
          %get3A_325 = arith.index_cast %mul3A_324 : i32 to index
          %get3A_326 = tpu.vector_load %arg11[%get3A_325] {strides = array<i32>} : memref<4112xi32, #tpu.memory_space<vmem>>, vector<16xi32>,
          %ge3A_327 = arith.cmpi sge, %get3A_326, %broadcast_in_dim3A_277 : vector<16xi32>
          %mul3A_328 = arith.constant 16 : i32
          %mul3A_329 = arith.muli %while3A_320, %mul3A_328 : i32
          %get3A_330 = arith.index_cast %mul3A_329 : i32 to index
          %get3A_331 = tpu.vector_load %arg12[%get3A_330] {strides = array<i32>} : memref<4112xf32, #tpu.memory_space<vmem>>, vector<16xf32>,
          %jit3A_332 = arith.constant 1 : i32
          %jit3A_333 = arith.constant 0 : i32
          %broadcast_in_dim3A_334 = vector.broadcast %jit3A_332 : i32 to vector<16xi32>
          %broadcast_in_dim3A_335 = vector.broadcast %jit3A_333 : i32 to vector<16xi32>
          %select_n3A_336 = arith.select %ge3A_327, %broadcast_in_dim3A_334, %broadcast_in_dim3A_335 : vector<16xi1>, vector<16xi32>
          %broadcast_in_dim3A_337 = arith.constant true
          %broadcast_in_dim3A_338 = vector.broadcast %broadcast_in_dim3A_337 : i1 to vector<16xi1>
          %masked_cumsum3A_339 = tpu.scan <sum>, %select_n3A_336 masked %broadcast_in_dim3A_338 : vector<16xi32>, vector<16xi1> -> vector<16xi32>
          %add3A_340 = arith.addi %masked_cumsum3A_339, %while3A_321 : vector<16xi32>
          %eq3A_341 = arith.cmpi eq, %add3A_340, %gather3A_284 : vector<16xi32>
          %and3A_342 = arith.andi %ge3A_327, %eq3A_341 : vector<16xi1>
          %jit3A_343 = arith.constant 5.000000e-01 : f32
          %jit3A_344 = arith.constant 0.000000e+00 : f32
          %broadcast_in_dim3A_345 = vector.broadcast %jit3A_343 : f32 to vector<16xf32>
          %broadcast_in_dim3A_346 = vector.broadcast %jit3A_344 : f32 to vector<16xf32>
          %select_n3A_347 = arith.select %and3A_342, %broadcast_in_dim3A_345, %broadcast_in_dim3A_346 : vector<16xi1>, vector<16xf32>
          %eq3A_348 = arith.cmpi eq, %add3A_340, %gather3A_287 : vector<16xi32>
          %and3A_349 = arith.andi %ge3A_327, %eq3A_348 : vector<16xi1>
          %jit3A_350 = arith.constant 5.000000e-01 : f32
          %jit3A_351 = arith.constant 0.000000e+00 : f32
          %broadcast_in_dim3A_352 = vector.broadcast %jit3A_350 : f32 to vector<16xf32>
          %broadcast_in_dim3A_353 = vector.broadcast %jit3A_351 : f32 to vector<16xf32>
          %select_n3A_354 = arith.select %and3A_349, %broadcast_in_dim3A_352, %broadcast_in_dim3A_353 : vector<16xi1>, vector<16xf32>
          %add3A_355 = arith.addf %select_n3A_347, %select_n3A_354 : vector<16xf32>
          %all_reduce_population_count3A = tpu.all_reduce %ge3A_327 {dim = 0 : i64, kind = #tpu.reduction_kind<sum>} : vector<16xi1> -> vector<16xi32>
          %add3A_356 = arith.addi %while3A_321, %all_reduce_population_count3A : vector<16xi32>
          %mul3A_357 = arith.mulf %get3A_331, %add3A_355 : vector<16xf32>
          %add3A_358 = arith.addf %while3A_322, %mul3A_357 : vector<16xf32>
          scf.yield %add3A_356, %add3A_358 : vector<16xi32>, vector<16xf32>
        }
        %while3A_300 = arith.constant 1 : i32
        %while3A_301:2 = scf.for %while3A_320 = %while3A_297 to %while3A_293 step %while3A_300 iter_args(%while3A_321 = %while3A_299#0, %while3A_322 = %while3A_299#1) -> (vector<16xi32>, vector<16xf32>)  : i32 {
          %mul3A_323 = arith.constant 16 : i32
          %mul3A_324 = arith.muli %while3A_320, %mul3A_323 : i32
          %get3A_325 = arith.index_cast %mul3A_324 : i32 to index
          %get3A_326 = tpu.vector_load %arg11[%get3A_325] {strides = array<i32>} : memref<4112xi32, #tpu.memory_space<vmem>>, vector<16xi32>,
          %ge3A_327 = arith.cmpi sge, %get3A_326, %broadcast_in_dim3A_277 : vector<16xi32>
          %mul3A_328 = arith.constant 16 : i32
          %mul3A_329 = arith.muli %while3A_320, %mul3A_328 : i32
          %get3A_330 = arith.index_cast %mul3A_329 : i32 to index
          %get3A_331 = tpu.vector_load %arg12[%get3A_330] {strides = array<i32>} : memref<4112xf32, #tpu.memory_space<vmem>>, vector<16xf32>,
          %jit3A_332 = arith.constant 1 : i32
          %jit3A_333 = arith.constant 0 : i32
          %broadcast_in_dim3A_334 = vector.broadcast %jit3A_332 : i32 to vector<16xi32>
          %broadcast_in_dim3A_335 = vector.broadcast %jit3A_333 : i32 to vector<16xi32>
          %select_n3A_336 = arith.select %ge3A_327, %broadcast_in_dim3A_334, %broadcast_in_dim3A_335 : vector<16xi1>, vector<16xi32>
          %broadcast_in_dim3A_337 = arith.constant true
          %broadcast_in_dim3A_338 = vector.broadcast %broadcast_in_dim3A_337 : i1 to vector<16xi1>
          %masked_cumsum3A_339 = tpu.scan <sum>, %select_n3A_336 masked %broadcast_in_dim3A_338 : vector<16xi32>, vector<16xi1> -> vector<16xi32>
          %add3A_340 = arith.addi %masked_cumsum3A_339, %while3A_321 : vector<16xi32>
          %eq3A_341 = arith.cmpi eq, %add3A_340, %gather3A_284 : vector<16xi32>
          %and3A_342 = arith.andi %ge3A_327, %eq3A_341 : vector<16xi1>
          %jit3A_343 = arith.constant 5.000000e-01 : f32
          %jit3A_344 = arith.constant 0.000000e+00 : f32
          %broadcast_in_dim3A_345 = vector.broadcast %jit3A_343 : f32 to vector<16xf32>
          %broadcast_in_dim3A_346 = vector.broadcast %jit3A_344 : f32 to vector<16xf32>
          %select_n3A_347 = arith.select %and3A_342, %broadcast_in_dim3A_345, %broadcast_in_dim3A_346 : vector<16xi1>, vector<16xf32>
          %eq3A_348 = arith.cmpi eq, %add3A_340, %gather3A_287 : vector<16xi32>
          %and3A_349 = arith.andi %ge3A_327, %eq3A_348 : vector<16xi1>
          %jit3A_350 = arith.constant 5.000000e-01 : f32
          %jit3A_351 = arith.constant 0.000000e+00 : f32
          %broadcast_in_dim3A_352 = vector.broadcast %jit3A_350 : f32 to vector<16xf32>
          %broadcast_in_dim3A_353 = vector.broadcast %jit3A_351 : f32 to vector<16xf32>
          %select_n3A_354 = arith.select %and3A_349, %broadcast_in_dim3A_352, %broadcast_in_dim3A_353 : vector<16xi1>, vector<16xf32>
          %add3A_355 = arith.addf %select_n3A_347, %select_n3A_354 : vector<16xf32>
          %all_reduce_population_count3A = tpu.all_reduce %ge3A_327 {dim = 0 : i64, kind = #tpu.reduction_kind<sum>} : vector<16xi1> -> vector<16xi32>
          %add3A_356 = arith.addi %while3A_321, %all_reduce_population_count3A : vector<16xi32>
          %mul3A_357 = arith.mulf %get3A_331, %add3A_355 : vector<16xf32>
          %add3A_358 = arith.addf %while3A_322, %mul3A_357 : vector<16xf32>
          scf.yield %add3A_356, %add3A_358 : vector<16xi32>, vector<16xf32>
        }
        %reduce_sum3A = arith.constant true
        %reduce_sum3A_302 = vector.broadcast %reduce_sum3A : i1 to vector<16xi1>
        %reduce_sum3A_303 = tpu.scan <sum>, %while3A_301#1 masked %reduce_sum3A_302 : vector<16xf32>, vector<16xi1> -> vector<16xf32>
        %reduce_sum3A_304 = vector.extract %reduce_sum3A_303[15] : f32 from vector<16xf32>
        %broadcast_in_dim3A_305 = vector.broadcast %reduce_sum3A_304 : f32 to vector<16xf32>
        %gt3A = arith.constant 0 : i32
        %gt3A_306 = vector.broadcast %gt3A : i32 to vector<16xi32>
        %gt3A_307 = arith.cmpi sgt, %gather3A_281, %gt3A_306 : vector<16xi32>
        %sub3A_308 = arith.constant -3.200000e+01 : f32
        %sub3A_309 = vector.broadcast %sub3A_308 : f32 to vector<16xf32>
        %sub3A_310 = arith.subf %broadcast_in_dim3A_305, %sub3A_309 : vector<16xf32>
        %mul3A_311 = arith.constant 1.562500e-02 : f32
        %mul3A_312 = vector.broadcast %mul3A_311 : f32 to vector<16xf32>
        %mul3A_313 = arith.mulf %sub3A_310, %mul3A_312 : vector<16xf32>
        %jit3A_314 = arith.constant 0.000000e+00 : f32
        %broadcast_in_dim3A_315 = vector.broadcast %jit3A_314 : f32 to vector<16xf32>
        %select_n3A_316 = arith.select %gt3A_307, %mul3A_313, %broadcast_in_dim3A_315 : vector<16xi1>, vector<16xf32>
        %eq3A_317 = vector.broadcast %scan3A_273 : i32 to vector<16xi32>
        %eq3A_318 = arith.cmpi eq, %iota3A, %eq3A_317 : vector<16xi32>
        %select_n3A_319 = arith.select %eq3A_318, %select_n3A_316, %scan3A_274 : vector<16xi1>, vector<16xf32>
        scf.yield %select_n3A_319 : vector<16xf32>
      }
      %scan3A_269 = arith.constant 16 : i32
      %swap3A_270 = arith.constant 48 : index
      %swap3A_271 = tpu.vector_load %arg13[%swap3A_270] {strides = array<i32>} : memref<64xf32, #tpu.memory_space<vmem>>, vector<16xf32>,
      tpu.vector_store %arg13[%swap3A_270], %scan3A_268 {strides = array<i32>} : memref<64xf32, #tpu.memory_space<vmem>>, vector<16xf32>,
      "tpu.region"() ({
        %run_scoped3A = tpu.sem_alloc : memref<!tpu.dma_semaphore, #tpu.memory_space<semaphore_mem>>
        %dma_start3A = arith.constant 0 : i32
        %dma_start3A_273 = tpu.memref_slice %arg6[%select_n3A, %dma_start3A] : memref<64x64xf32, #tpu.memory_space<hbm>> -> memref<1x64xf32, #tpu.memory_space<hbm>>
        %dma_start3A_274 = tpu.memref_squeeze %dma_start3A_273 : memref<1x64xf32, #tpu.memory_space<hbm>> -> memref<64xf32, #tpu.memory_space<hbm>>
        %dma_start3A_275 = arith.constant 0 : i32
        %dma_start3A_276 = tpu.memref_slice %arg6[%select_n3A, %dma_start3A_275] : memref<64x64xf32, #tpu.memory_space<hbm>> -> memref<1x64xf32, #tpu.memory_space<hbm>>
        %dma_start3A_277 = tpu.memref_squeeze %dma_start3A_276 : memref<1x64xf32, #tpu.memory_space<hbm>> -> memref<64xf32, #tpu.memory_space<hbm>>
        tpu.enqueue_dma source(%arg13 : memref<64xf32, #tpu.memory_space<vmem>>) target(%dma_start3A_277 : memref<64xf32, #tpu.memory_space<hbm>>) target_semaphore(%run_scoped3A : memref<!tpu.dma_semaphore, #tpu.memory_space<semaphore_mem>>)
        %dma_wait3A = arith.constant 0 : i32
        %dma_wait3A_278 = tpu.memref_slice %arg6[%select_n3A, %dma_wait3A] : memref<64x64xf32, #tpu.memory_space<hbm>> -> memref<1x64xf32, #tpu.memory_space<hbm>>
        %dma_wait3A_279 = tpu.memref_squeeze %dma_wait3A_278 : memref<1x64xf32, #tpu.memory_space<hbm>> -> memref<64xf32, #tpu.memory_space<hbm>>
        %dma_wait3A_280 = arith.constant 0 : i32
        %dma_wait3A_281 = tpu.memref_slice %arg6[%select_n3A, %dma_wait3A_280] : memref<64x64xf32, #tpu.memory_space<hbm>> -> memref<1x64xf32, #tpu.memory_space<hbm>>
        %dma_wait3A_282 = tpu.memref_squeeze %dma_wait3A_281 : memref<1x64xf32, #tpu.memory_space<hbm>> -> memref<64xf32, #tpu.memory_space<hbm>>
        tpu.wait_dma2 semaphore(%run_scoped3A : memref<!tpu.dma_semaphore, #tpu.memory_space<semaphore_mem>>) src(%arg13 : memref<64xf32, #tpu.memory_space<vmem>>) dst(%dma_wait3A_282 : memref<64xf32, #tpu.memory_space<hbm>>)
        tpu.yield
      }) : () -> ()
      %scan3A_272 = arith.constant 0 : i32
      scf.yield %scan3A_272 : i32
    }
    %scan3A_14 = arith.constant 2 : i32
    return
  }
}

module attributes {stable_mosaic.version = 14 : i64} {
  func.func @_nn_mean_kernel(%arg0: i32, %arg1: memref<4096x128xf32, #tpu.memory_space<vmem>>, %arg2: memref<1x1xf32, #tpu.memory_space<smem>>) attributes {dimension_semantics = [#tpu.dimension_semantics<arbitrary>], iteration_bounds = array<i64: 4>, scalar_prefetch = 0 : i64, scratch_operands = 0 : i64, tpu.core_type = #tpu.core_type<tc>, window_params = [{pipeline_mode = #tpu.pipeline_mode<synchronous>, transform_indices = @transform_0, window_bounds = array<i64: 4096, 128>}, {transform_indices = @transform_1, window_bounds = array<i64: 1, 1>}]} {
    %eq3A = arith.constant 0 : i32
    %eq3A_0 = arith.cmpi eq, %arg0, %eq3A : i32
    %convert_element_type3A = arith.extui %eq3A_0 : i1 to i32
    %cond3A = arith.constant 0 : i32
    %cond3A_1 = arith.cmpi ne, %convert_element_type3A, %cond3A : i32
    scf.if %cond3A_1 {
      %swap3A_30 = arith.constant 0.000000e+00 : f32
      %swap3A_31 = arith.constant 0 : index
      %swap3A_32 = arith.constant 0 : index
      %swap3A_33 = memref.load %arg2[%swap3A_31, %swap3A_32] : memref<1x1xf32, #tpu.memory_space<smem>>
      memref.store %swap3A_30, %arg2[%swap3A_31, %swap3A_32] : memref<1x1xf32, #tpu.memory_space<smem>>
    } else {
    }
    %mul3A = arith.constant 1024 : i32
    %mul3A_2 = arith.muli %arg0, %mul3A : i32
    %get3A = arith.index_cast %mul3A_2 : i32 to index
    %get3A_3 = arith.constant 0 : index
    %get3A_4 = vector.load %arg1[%get3A, %get3A_3] : memref<4096x128xf32, #tpu.memory_space<vmem>>, vector<1024x128xf32>
    %mul3A_5 = arith.mulf %get3A_4, %get3A_4 : vector<1024x128xf32>
    %reduce_sum3A = arith.constant dense<0.000000e+00> : vector<1024xf32>
    %reduce_sum3A_6 = vector.multi_reduction <add>, %mul3A_5, %reduce_sum3A [1] : vector<1024x128xf32> to vector<1024xf32>
    %broadcast_in_dim3A = vector.shape_cast %reduce_sum3A_6 : vector<1024xf32> to vector<1024x1xf32>
    %mul3A_7 = arith.constant 1024 : i32
    %mul3A_8 = arith.muli %arg0, %mul3A_7 : i32
    %iota3A = tpu.iota {dimensions = array<i32: 0>} : vector<1024x1024xi32>
    %add3A = vector.broadcast %mul3A_8 : i32 to vector<1024x1024xi32>
    %add3A_9 = arith.addi %add3A, %iota3A : vector<1024x1024xi32>
    %broadcast_in_dim3A_10 = arith.constant 0x7F800000 : f32
    %broadcast_in_dim3A_11 = vector.broadcast %broadcast_in_dim3A_10 : f32 to vector<1024x1xf32>
    %scan3A = arith.constant 0 : i32
    %scan3A_12 = arith.constant 4 : i32
    %scan3A_13 = arith.addi %scan3A, %scan3A_12 : i32
    %scan3A_14 = arith.constant 1 : i32
    %scan3A_15 = scf.for %scan3A_30 = %scan3A to %scan3A_13 step %scan3A_14 iter_args(%scan3A_31 = %broadcast_in_dim3A_11) -> (vector<1024x1xf32>)  : i32 {
      %mul3A_32 = arith.constant 1024 : i32
      %mul3A_33 = arith.muli %scan3A_30, %mul3A_32 : i32
      %get3A_34 = arith.index_cast %mul3A_33 : i32 to index
      %get3A_35 = arith.constant 0 : index
      %get3A_36 = vector.load %arg1[%get3A_34, %get3A_35] : memref<4096x128xf32, #tpu.memory_space<vmem>>, vector<1024x128xf32>
      %mul3A_37 = arith.mulf %get3A_36, %get3A_36 : vector<1024x128xf32>
      %reduce_sum3A_38 = arith.constant dense<0.000000e+00> : vector<1024xf32>
      %reduce_sum3A_39 = vector.multi_reduction <add>, %mul3A_37, %reduce_sum3A_38 [1] : vector<1024x128xf32> to vector<1024xf32>
      %broadcast_in_dim3A_40 = vector.shape_cast %reduce_sum3A_39 : vector<1024xf32> to vector<1024x1xf32>
      %dot_general3A = arith.constant dense<0.000000e+00> : vector<1024x1024xf32>
      %dot_general3A_41 = tpu.matmul %get3A_4, %get3A_36, %dot_general3A {dimension_numbers = #tpu.dot_dimension_numbers<[1], [1], [0], [0], [0, 0, 1, 0], [], []>, transpose_lhs_hint = false} : vector<1024x128xf32>, vector<1024x128xf32>, vector<1024x1024xf32> -> vector<1024x1024xf32>
      %transpose3A = tpu.transpose %broadcast_in_dim3A_40, [1, 0] : vector<1024x1xf32> -> vector<1x1024xf32>
      %add3A_42 = vector.broadcast %broadcast_in_dim3A : vector<1024x1xf32> to vector<1024x1024xf32>
      %add3A_43 = vector.broadcast %transpose3A : vector<1x1024xf32> to vector<1024x1024xf32>
      %add3A_44 = arith.addf %add3A_42, %add3A_43 : vector<1024x1024xf32>
      %mul3A_45 = arith.constant 2.000000e+00 : f32
      %mul3A_46 = vector.broadcast %mul3A_45 : f32 to vector<1024x1024xf32>
      %mul3A_47 = arith.mulf %mul3A_46, %dot_general3A_41 : vector<1024x1024xf32>
      %sub3A = arith.subf %add3A_44, %mul3A_47 : vector<1024x1024xf32>
      %max3A = arith.constant 0.000000e+00 : f32
      %max3A_48 = vector.broadcast %max3A : f32 to vector<1024x1024xf32>
      %max3A_49 = arith.maximumf %sub3A, %max3A_48 : vector<1024x1024xf32>
      %mul3A_50 = arith.constant 1024 : i32
      %mul3A_51 = arith.muli %scan3A_30, %mul3A_50 : i32
      %iota3A_52 = tpu.iota {dimensions = array<i32: 1>} : vector<1024x1024xi32>
      %add3A_53 = vector.broadcast %mul3A_51 : i32 to vector<1024x1024xi32>
      %add3A_54 = arith.addi %add3A_53, %iota3A_52 : vector<1024x1024xi32>
      %eq3A_55 = arith.cmpi eq, %add3A_9, %add3A_54 : vector<1024x1024xi32>
      %jit3A = arith.constant 0x7F800000 : f32
      %broadcast_in_dim3A_56 = vector.broadcast %jit3A : f32 to vector<1024x1024xf32>
      %select_n3A = arith.select %eq3A_55, %broadcast_in_dim3A_56, %max3A_49 : vector<1024x1024xi1>, vector<1024x1024xf32>
      %reduce_min3A = arith.constant dense<0x7F800000> : vector<1024xf32>
      %reduce_min3A_57 = vector.multi_reduction <minimumf>, %select_n3A, %reduce_min3A [1] : vector<1024x1024xf32> to vector<1024xf32>
      %broadcast_in_dim3A_58 = vector.shape_cast %reduce_min3A_57 : vector<1024xf32> to vector<1024x1xf32>
      %min3A = arith.minimumf %scan3A_31, %broadcast_in_dim3A_58 : vector<1024x1xf32>
      scf.yield %min3A : vector<1024x1xf32>
    }
    %scan3A_16 = arith.constant 4 : i32
    %sqrt3A = math.sqrt %scan3A_15 : vector<1024x1xf32>
    %get3A_17 = arith.constant 0 : index
    %get3A_18 = arith.constant 0 : index
    %get3A_19 = memref.load %arg2[%get3A_17, %get3A_18] : memref<1x1xf32, #tpu.memory_space<smem>>
    %reduce_sum3A_20 = vector.shape_cast %sqrt3A : vector<1024x1xf32> to vector<1x1024x1xf32>
    %reduce_sum3A_21 = arith.constant dense<0.000000e+00> : vector<1xf32>
    %reduce_sum3A_22 = vector.multi_reduction <add>, %reduce_sum3A_20, %reduce_sum3A_21 [1, 2] : vector<1x1024x1xf32> to vector<1xf32>
    %reduce_sum3A_23 = vector.shape_cast %reduce_sum3A_22 : vector<1xf32> to vector<1x1x1xf32>
    %reduce_sum3A_24 = vector.extract %reduce_sum3A_23[0, 0, 0] : f32 from vector<1x1x1xf32>
    %mul3A_25 = arith.constant 2.44140625E-4 : f32
    %mul3A_26 = arith.mulf %reduce_sum3A_24, %mul3A_25 : f32
    %add3A_27 = arith.addf %get3A_19, %mul3A_26 : f32
    %swap3A = arith.constant 0 : index
    %swap3A_28 = arith.constant 0 : index
    %swap3A_29 = memref.load %arg2[%swap3A, %swap3A_28] : memref<1x1xf32, #tpu.memory_space<smem>>
    memref.store %add3A_27, %arg2[%swap3A, %swap3A_28] : memref<1x1xf32, #tpu.memory_space<smem>>
    return
  }
  func.func @transform_0(%arg0: i32) -> (i32, i32) {
    %c0_i32 = arith.constant 0 : i32
    %c0_i32_0 = arith.constant 0 : i32
    %c0_i32_1 = arith.constant 0 : i32
    return %c0_i32, %c0_i32_0 : i32, i32
  }
  func.func @transform_1(%arg0: i32) -> (i32, i32) {
    %c0_i32 = arith.constant 0 : i32
    %c0_i32_0 = arith.constant 0 : i32
    %c0_i32_1 = arith.constant 0 : i32
    return %c0_i32, %c0_i32_0 : i32, i32
  }
}

</mosaic_0001>

<sc_bundles>
// kernel: kernel.4.cloned.1.call-start
scs
__scs_entry_jumppad:
0x0: {  	(pc) =	sbr.rel $0x88, $3  }
0x1: {  	(tag) =	ssettag $0x0;
	lr =	simm.s32 $0x1  }
0x2: {  	[smem:$0x3FA0] =	sst lr;
	_ =	strace $0xD0000000  }
0x3: {  	_ = 	snop  }
0x4: {  	_ = 	snop  }
0x5: {  	_ = 	snop  }
0x6: {  	_ = 	snop  }
0x7: {  	_ = 	snop  }
__scs_overlays_trampoline_lowered:
0x8: {  	[smem:$0x3FAF] =	sst s0  }
0x9: {  	[smem:$0x3FB0] =	sst s1  }
0xa: {  	[smem:$0x3FB1] =	sst s2  }
0xb: {  	[smem:$0x3FB2] =	sst s3  }
0xc: {  	[smem:$0x3FB3] =	sst s4  }
0xd: {  	[smem:$0x3FB4] =	sst s5  }
0xe: {  	[smem:$0x3FB5] =	sst s6  }
0xf: {  	[smem:$0x3FB6] =	sst s7  }
0x10: {  	[smem:$0x3FB7] =	sst s8  }
0x11: {  	[smem:$0x3FB8] =	sst s9;
	s0 =	simm.s32 @!p0 $0x0  }
0x12: {  	s1 =	sld [smem:$0x3F9E];
	s0 =	simm.s32 @p0 $0x1  }
0x13: {  	[smem:$0x3FB9] =	sst s0;
	s0 =	simm.s32 @!p1 $0x0  }
0x14: {  	s2 =	sld [smem:$0x3F9D];
	s0 =	simm.s32 @p1 $0x1  }
0x15: {  	[smem:$0x3FBA] =	sst s0;
	s0 =	simm.s32 @!p2 $0x0  }
0x16: {  	s3 =	sld [smem:$0x3FDB];
	s0 =	simm.s32 @p2 $0x1  }
0x17: {  	s4 =	simm.s32 $0x1BF5;
	[smem:$0x3FBC] =	sst s0  }
0x18: {  	s0 =	sld [smem:$0x3F9F];
	_ =	swait.ge [sflag:s4], $0x0  }
0x19: {  	s7 =	sld [smem:$0x3FA0]  }
0x1a: {  	s8 =	sadd.s32 $0xFFFFE003, lr  }
0x1b: {  	s9 =	sadd.s32 $0xFFFFFEF7, lr;
	s5 =	simm.s32 $0xFFFFFFFF;
	p2 =	slt.u32 s8, $0xFFFFF086  }
0x1c: {  	p1 =	slt.u32 s9, $0xF7A;
	s5 =	simm.s32 @!p2 $0x0  }
0x1d: {  	s5 =	simm.s32 @p1 $0x1;
	p0 =	seq.s32 s7, s2  }
0x1e: {  	s7 =	smul.u32 @!p0 $0xF7A, s2;
	p2 =	seq.s32 @!p0 s5, $0x0  }
0x1f: {  	s9 =	smul.u32 $0xF7A, s1;
	s8 =	simm.s32 @!p0 $0x1BF5;
	p2 =	por !p2, p0  }
0x20: {  	[sflag:s8] =	ssyncset.s32 @!p0 $0xFFFFF086;
	s6 =	sadd.s32 @!p0 s3, s7;
	s7 =	simm.s32 @!p0 $0x108  }
0x21: {  	s3 =	sadd.s32 s3, s9;
	s6 =	sadd.s32 @!p0 $0x88, s6;
	s7 =	simm.s32 @p2 $0x1082  }
0x22: {  	[simem:s7], [sflag:s8] =	dma.local @!p0 [hbm:s6], $0xF7A  }
0x23: {  	s9 =	sor.u32 $0xD0000000, s2;
	s6 =	simm.s32 $0x108;
	_ =	swait.ge @!p0 [sflag:s8], $0x0  }
0x24: {  	s3 =	sadd.s32 $0x88, s3;
	s6 =	simm.s32 @!p1 $0x1082;
	[sflag:s4] =	ssyncset.s32 $0xFFFFF086  }
0x25: {  	[simem:s6], [sflag:s4] =	dma.local [hbm:s3], $0xF7A  }
0x26: {  	[smem:$0x3FA0] =	sst s1;
	(tag) =	ssettag s2;
	_ =	strace s9  }
0x27: {  	s1 =	sld [smem:$0x3FB0]  }
0x28: {  	s2 =	sld [smem:$0x3FB1]  }
0x29: {  	s4 =	sld [smem:$0x3FB3]  }
0x2a: {  	p0 =	seq.s32 s5, $0x0;
	s5 =	sld [smem:$0x3FB4]  }
0x2b: {  	s6 =	sld [smem:$0x3FB5]  }
0x2c: {  	s7 =	sld [smem:$0x3FB6]  }
0x2d: {  	s3 =	simm.s32 $0x108;
	s8 =	sld [smem:$0x3FB7]  }
0x2e: {  	s3 =	simm.s32 @!p0 $0x1082;
	s9 =	sld [smem:$0x3FB8]  }
0x2f: {  	lr =	sadd.s32 s0, s3;
	s0 =	sld [smem:$0x3FAF]  }
0x30: {  	s3 =	sld [smem:$0x3FB2]  }
0x31: {  	[smem:$0x3FBB] =	sst s10  }
0x32: {  	s10 =	sld [smem:$0x3FB9];
	_ =	sdelay $0x3  }
0x33: {  	p0 =	seq.s32 s10, $0x1;
	s10 =	sld [smem:$0x3FBB];
	_ =	sdelay $0x3  }
0x34: {  	[smem:$0x3FBB] =	sst s10  }
0x35: {  	s10 =	sld [smem:$0x3FBA];
	_ =	sdelay $0x3  }
0x36: {  	p1 =	seq.s32 s10, $0x1;
	s10 =	sld [smem:$0x3FBB];
	_ =	sdelay $0x3  }
0x37: {  	[smem:$0x3FBB] =	sst s10  }
0x38: {  	s10 =	sld [smem:$0x3FBC]  }
0x39: {  	_ = 	snop;
	(pc) =	sbr.ind lr, $3  }
0x3a: {  	_ = 	snop  }
0x3b: {  	_ = 	snop  }
0x3c: {  	p2 =	seq.s32 s10, $0x1;
	s10 =	sld [smem:$0x3FBB]  }
0x3d: {  	_ =	shalt  }
0x3e: {  	_ =	shalt  }
0x3f: {  	_ =	shalt  }
0x40: {  	_ =	shalt  }
0x41: {  	_ =	shalt  }
0x42: {  	_ =	shalt  }
0x43: {  	_ =	shalt  }
0x44: {  	_ =	shalt  }
0x45: {  	_ =	shalt  }
0x46: {  	_ =	shalt  }
0x47: {  	_ =	shalt  }
0x48: {  	_ =	shalt  }
0x49: {  	_ =	shalt  }
0x4a: {  	_ =	shalt  }
0x4b: {  	_ =	shalt  }
0x4c: {  	_ =	shalt  }
0x4d: {  	_ =	shalt  }
0x4e: {  	_ =	shalt  }
0x4f: {  	_ =	shalt  }
0x50: {  	_ =	shalt  }
0x51: {  	_ =	shalt  }
0x52: {  	_ =	shalt  }
0x53: {  	_ =	shalt  }
0x54: {  	_ =	shalt  }
0x55: {  	_ =	shalt  }
0x56: {  	_ =	shalt  }
0x57: {  	_ =	shalt  }
0x58: {  	_ =	shalt  }
0x59: {  	_ =	shalt  }
0x5a: {  	_ =	shalt  }
0x5b: {  	_ =	shalt  }
0x5c: {  	_ =	shalt  }
0x5d: {  	_ =	shalt  }
0x5e: {  	_ =	shalt  }
0x5f: {  	_ =	shalt  }
0x60: {  	_ =	shalt  }
0x61: {  	_ =	shalt  }
0x62: {  	_ =	shalt  }
0x63: {  	_ =	shalt  }
0x64: {  	_ =	shalt  }
0x65: {  	_ =	shalt  }
0x66: {  	_ =	shalt  }
0x67: {  	_ =	shalt  }
0x68: {  	_ =	shalt  }
0x69: {  	_ =	shalt  }
0x6a: {  	_ =	shalt  }
0x6b: {  	_ =	shalt  }
0x6c: {  	_ =	shalt  }
0x6d: {  	_ =	shalt  }
0x6e: {  	_ =	shalt  }
0x6f: {  	_ =	shalt  }
0x70: {  	_ =	shalt  }
0x71: {  	_ =	shalt  }
0x72: {  	_ =	shalt  }
0x73: {  	_ =	shalt  }
0x74: {  	_ =	shalt  }
0x75: {  	_ =	shalt  }
0x76: {  	_ =	shalt  }
0x77: {  	_ =	shalt  }
0x78: {  	_ =	shalt  }
0x79: {  	_ =	shalt  }
0x7a: {  	_ =	shalt  }
0x7b: {  	_ =	shalt  }
0x7c: {  	_ =	shalt  }
0x7d: {  	_ =	shalt  }
0x7e: {  	_ =	shalt  }
0x7f: {  	_ =	shalt  }
0x80: {  	_ =	shalt  }
0x81: {  	_ =	shalt  }
0x82: {  	_ =	shalt  }
0x83: {  	_ =	shalt  }
0x84: {  	_ =	shalt  }
0x85: {  	_ =	shalt  }
0x86: {  	_ =	shalt  }
0x87: {  	_ =	shalt  }
.Lfunc_end0:
.L_simem_size_0:
called_computation_lowered:
.L_overlay_start_0:
0x88: {  	s2 =	sld [smem:$0x3FD9]  }
0x89: {  	s3 =	sld [smem:$0x3FFE];
	_ =	sdelay $0x1  }
0x8a: {  	s1 =	srdreg.scid  }
0x8b: {  	s0 =	sand.u32 $0x1, s1  }
0x8c: {  	s17 =	sshll.u32 s0, $0xA;
	s2 =	sadd.s32 s3, s2  }
0x8d: {  	s2 =	sadd.s32 s2, s17  }
0x8e: {  	[smem:$0x3FC7] =	sst s2  }
0x8f: {  	_ = 	snop  }
0x90: {  	s2 =	sld [smem:$0x3FD0];
	(tm) =	ssettm $0x1  }
0x91: {  	s18 =	sld [smem:$0x3FFB];
	_ =	sdelay $0x3  }
0x92: {  	_ =	strace s18  }
0x93: {  	s3 =	sld [smem:$0x3FFC];
	_ =	sdelay $0x3  }
0x94: {  	_ =	strace s3  }
0x95: {  	s3 =	sld [smem:$0x3FFD];
	_ =	sdelay $0x3  }
0x96: {  	_ =	strace s3  }
0x97: {  	_ =	strace $0x8FFFFFFF  }
0x98: {  	s19 =	sld [smem:$0x3FDB];
	_ =	sdelay $0x1  }
0x99: {  	s4 =	simm.s32 $_scs_section_size  }
0x9a: {  	s5 =	simm.s32 $_size__tile_overlayer_lowered;
	s6 =	simm.s32 $_tile_overlayer_lowered  }
0x9b: {  	s22 =	simm.s32 $0x1BFF;
	s21 =	sshll.u32 s6, $0x1;
	s3 =	sadd.s32 s4, s19  }
0x9c: {  	s7 =	simm.s32 $0x0;
	s20 =	sshll.u32 s5, $0x1;
	s5 =	sadd.s32 s21, s3  }
0x9d: {  	[timem:s7], [sflag:s22] =	dma.local [hbm:s5], s20  }
0x9e: {  	_ =	swait.ge [sflag:s22], s20  }
0x9f: {  	s4 =	ssub.s32 $0x0, s20;
	[sflag:s22] =	ssyncset.done $0x0  }
0xa0: {  	[sflag:s22] =	ssyncadd.s32 s4;
	_ =	sdelay $0x1  }
0xa1: {  	s23 =	simm.s32 $0x1B8B  }
0xa2: {  	_ =	swait.ge [sflag:s23], $0x1  }
0xa3: {  	[sflag:s23] =	ssyncset.done $0x0  }
0xa4: {  	s25 =	simm.s32 $0x1B8E;
	s24 =	sld [smem:$0x3FFE];
	[sflag:s23] =	ssyncadd.s32 $0xFFFFFFFF  }
0xa5: {  	s26 =	simm.s32 $execute0_lowered;
	[smem:$0x3FD2] =	sst s25  }
0xa6: {  	s5 =	sshll.u32 s26, $0x1;
	_ =	strace $0x80000046;
	[dreg:$0x1] =	wrdreg $0xFFFFFFFF  }
0xa7: {  	s28 =	simm.s32 $_size_execute0_lowered;
	s3 =	sadd.s32 s3, s5;
	[dreg:$0x0] =	wrdreg $0x0  }
0xa8: {  	s5 =	sshll.u32 s28, $0x1;
	[dreg:$0x2] =	wrdreg s3  }
0xa9: {  	[dreg:$0x3] =	wrdreg s5  }
0xaa: {  	[dreg:$0x4] =	wrdreg $0xC0  }
0xab: {  	_ =	task [dreg:s7], $0x5FFFF  }
0xac: {  	[dreg:$0x1] =	wrdreg $0xFFFFFFFF  }
0xad: {  	[dreg:$0x0] =	wrdreg $0x60  }
0xae: {  	[dreg:$0x2] =	wrdreg s24  }
0xaf: {  	[dreg:$0x3] =	wrdreg s2  }
0xb0: {  	[dreg:$0x4] =	wrdreg $0x9  }
0xb1: {  	_ =	task.clear_ibuf [dreg:s7], $0x5FFFF;
	_ =	strace $0x90000046  }
0xb2: {  	s29 =	simm.s32 $0x9;
	_ =	strace $0x80000048  }
0xb3: {  	_ =	swait.ge [sflag:s29], $0x1  }
0xb4: {  	[sflag:s29] =	ssyncadd.s32 $0xFFFFFFFF  }
0xb5: {  	_ =	strace $0x90000048  }
0xb6: {  	_ =	sfence  }
0xb7: {  	s30 =	sld [smem:$0x0];
	_ =	sdelay $0x2  }
0xb8: {  	s31 =	sshll.u32 s1, $0xD;
	s1 =	sshrl.u32 s1, $0x2  }
0xb9: {  	s3 =	sand.u32 $0x4000, s31;
	s1 =	sadd.s32 s1, s30  }
0xba: {  	s0 =	sor.u32 s3, s0;
	s1 =	sshll.u32 s1, $0x11  }
0xbb: {  	s0 =	sor.u32 s1, s0  }
0xbc: {  	s0 =	sadd.s32 $0x8F2B, s0  }
0xbd: {  	[sflag:s0] =	ssyncadd.remote.s32 $0x1  }
0xbe: {  	_ =	sfence.sel $0xFFFF  }
0xbf: {  	[dreg:$0x0] =	wrdreg $0xFFFFFFFF;
	(pc) =	sbr.abs _section_cstart, $3  }
0xc0: {  	[dreg:$0x1] =	wrdreg $0xFFFFFFFF  }
0xc1: {  	_ =	task.clear_ibuf [dreg:s7], $0x2FFFF;
	_ =	strace $0x9FFFFFFF  }
0xc2: {  	(tm) =	ssettm $0x7FFFFFFF  }
0xc3: {  	_ =	shalt  }
tec
execute0_lowered:
.L_overlay_start_1:
0x0: {  	(tag) =	ssettag $0x1  }
0x1: {  	s8 =	rddreg [dreg:$0x0]  }
0x2: {  	s1 =	rddreg [dreg:$0x1]  }
0x3: {  	s0 =	rddreg [dreg:$0x2]  }
0x4: {  	s2 =	simm.s32 $0x0;
	s3 =	srdreg.scid;
	s12 =	simm.s32 $0x2000  }
0x5: {  	s13 =	simm.s32 $0x3000;
	s14 =	simm.s32 $0x1;
	s15 =	simm.s32 $0x5300  }
0x6: {  	s16 =	simm.s32 $0x3080;
	s17 =	simm.s32 $0x4100;
	s18 =	simm.s32 $0x5180  }
0x7: {  	s19 =	simm.s32 $0x0;
	[smem:$0x7FF] =	sst s2;
	s7 =	sand.u32 $0x1, s3  }
.Ltmp0:
0x8: {  	s4 =	sadd.s32 $0x400, s8;
	s3 =	stileid.u32;
	(pc) =	sbr.rel .LBB2_1-.Ltmp0, $4  }
0x9: {  	v0 =	vlaneseq.u32;
	s5 =	sadd.s32 $0x600, s8;
	s6 =	sadd.s32 $0x200, s8;
	s9 =	ssub.s32 $0x2, s7  }
0xa: {  	v1 =	vimm.s32 $0x0;
	s8 =	sadd.s32 $0x800, s8;
	v5 =	vmul.u32 $0xFFFFFFFF, v0;
	s11 =	sshll.u32 s3, $0x1;
	s10 =	sshrl.u32 s9, $0x1  }
0xb: {  	v4 =	vimm.s32 $0xFFFFFFFF;
	v6 =	vimm.s32 $0xF;
	v7 =	vimm.f32 $0.0e+00;
	_ =	strace $0x80000047;
	s7 =	sor.u32 s7, s11;
	s10 =	ssub.s32 s9, s10  }
0xc: {  	v2 =	vor.u32 $0x80000010, v0;
	v3 =	vor.u32 $0x80000000, v0;
	s11 =	simm.s32 $0x1000;
	v5 =	vadd.s32 $0xF, v5;
	s9 =	sxor.u32 $0x3F, s7;
	s10 =	smax.u32 s10, $0x1  }
.LBB2_57:
0xd: {  	s19 =	sadd.s32 $0x1, s19  }
0xe: {  	p0 =	sne.s32 s19, s10  }
.Ltmp1:
0xf: {  	_ = 	snop;
	(pc) =	sbr.rel @!p0 .LBB2_58-.Ltmp1, $1  }
0x10: {  	_ =	sdelay $0x3  }
.LBB2_1:
0x11: {  	[tilespmem:s2], [sflag:$0x1] =	stream.linear.gather [hbm4b:s4+s2], $0x1000, $0x38;
	[tilespmem:$0x5380] =	vst v63  }
0x12: {  	_ =	swait.ge [sflag:s14], $0x1000  }
0x13: {  	[sflag:s14] =	ssyncset.done $0x0  }
0x14: {  	[sflag:s14] =	ssyncadd.s32 $0xFFFFF000  }
0x15: {  	[tilespmem:s11], [sflag:$0x1] =	stream.linear.gather [hbm4b:s5+s2], $0x1000, $0x38;
	[tilespmem:$0x5380] =	vst v63  }
0x16: {  	_ =	swait.ge [sflag:s14], $0x1000  }
0x17: {  	[sflag:s14] =	ssyncset.done $0x0  }
0x18: {  	[sflag:s14] =	ssyncadd.s32 $0xFFFFF000  }
0x19: {  	[tilespmem:s12], [sflag:$0x1] =	stream.linear.gather [hbm4b:s6+s2], $0x1000, $0x38;
	[tilespmem:$0x5380] =	vst v63  }
0x1a: {  	_ =	swait.ge [sflag:s14], $0x1000  }
0x1b: {  	[sflag:s14] =	ssyncset.done $0x0  }
0x1c: {  	[sflag:s14] =	ssyncadd.s32 $0xFFFFF000  }
0x1d: {  	[tilespmem:s13], [sflag:$0x1] =	stream.linear.gather [hbm4b:s8+s2], $0x80, $0x38;
	[tilespmem:$0x5380] =	vst v63  }
0x1e: {  	_ =	swait.ge [sflag:s14], $0x80  }
0x1f: {  	[sflag:s14] =	ssyncset.done $0x0  }
0x20: {  	[sflag:s14] =	ssyncadd.s32 $0xFFFFFF80  }
0x21: {  	v8 =	vld [tilespmem:$0x3000];
	_ =	sdelay $0x2  }
.Ltmp2:
0x22: {  	_ = 	snop;
	(pc) =	sbr.rel .LBB2_2-.Ltmp2, $3  }
0x23: {  	_ = 	snop  }
0x24: {  	v8 =	vmul.f32 $1.500000000e+00, v8;
	_ =	sdelay $0x1  }
0x25: {  	p1 =	por $0x1, $0x1;
	[tilespmem:$0x5280] =	vst v0;
	v8 =	vmul.f32 $1.500000000e+00, v8  }
.LBB2_56:
0x26: {  	s20 =	sshll.u32 s20, $0x4  }
.Ltmp3:
0x27: {  	[tilespmem:$0x51B0] =	vst v12;
	s20 =	sadd.s32 s1, s20;
	(pc) =	sbr.rel @!p0 .LBB2_57-.Ltmp3, $4  }
0x28: {  	[hbm4b:s20+s2] =	stream.linear.scatter [tilespmem:s18], [sflag:$0x1], $0x80, $0x38;
	[tilespmem:$0x5380] =	vst v63  }
0x29: {  	_ =	swait.ge [sflag:s14], $0x80  }
0x2a: {  	[sflag:s14] =	ssyncset.done $0x0  }
0x2b: {  	p1 =	por $0x0, $0x0;
	[sflag:s14] =	ssyncadd.s32 $0xFFFFFF80  }
.LBB2_2:
0x2c: {  	s20 =	smov.u32 s9  }
0x2d: {  	[tilespmem:$0x5200] =	vst v1;
	s20 =	smov.u32 @p1 s7  }
0x2e: {  	[tilespmem:$0x5300] =	vst v1;
	s21 =	sadd.s32 $0xFFFFFFE0, s20  }
0x2f: {  	[tilespmem:$0x5310] =	vst v1;
	s21 =	scvt.s32.f32 s21  }
0x30: {  	[tilespmem:$0x5320] =	vst v1  }
0x31: {  	p0 =	por p1, p1;
	[tilespmem:$0x5330] =	vst v1;
	v9 =	vsub.f32 s21, v8;
	v10 =	vadd.f32 s21, v8;
	s21 =	simm.s32 $0x0  }
.LBB2_3:
0x32: {  	s22 =	sshra.s32 s21, $0x2  }
0x33: {  	v11 =	vld [tilespmem:s22+$0x0];
	_ =	sdelay $0x4  }
0x34: {  	v12 =	vadd.f32 $3.200000000e+01, v11;
	_ =	sdelay $0x1  }
0x35: {  	v12 =	vadd.f32 v12, v8;
	_ =	sdelay $0x1  }
0x36: {  	v12 =	vtrunc.f32 v12  }
0x37: {  	v12 =	vcvt.f32.s32 v12;
	_ =	sdelay $0x1  }
0x38: {  	v13 =	vadd.s32 $0x1, v12  }
0x39: {  	v14 =	vcvt.s32.f32 v13;
	_ =	sdelay $0x1  }
0x3a: {  	v14 =	vadd.f32 $-3.200000000e+01, v14;
	_ =	sdelay $0x1  }
0x3b: {  	v14 =	vsub.f32 v14, v8;
	_ =	sdelay $0x1  }
0x3c: {  	vm0 =	vle.f32 v14, v11  }
0x3d: {  	v12 =	vsel vm0, v13, v12  }
0x3e: {  	v13 =	vcvt.s32.f32 v12;
	_ =	sdelay $0x1  }
0x3f: {  	v59 =	vld [tilespmem:s22+$0x1000];
	v13 =	vadd.f32 $-3.200000000e+01, v13;
	_ =	sdelay $0x1  }
0x40: {  	v13 =	vsub.f32 v13, v8;
	_ =	sdelay $0x1  }
0x41: {  	vm10 =	vgt.f32 v13, v11  }
0x42: {  	vm1 =	vle.f32 v59, v10;
	vm2 =	vle.f32 v11, v10;
	v11 =	vsel vm10, $0xFFFFFFFF, v1  }
0x43: {  	vm11 =	vge.f32 v59, v9;
	vm1 =	vmand vm1, vm2;
	v11 =	vadd.s32 v11, v12  }
0x44: {  	vm0 =	vmand vm1, vm11;
	vm12 =	vgt.s32 v11, $0xFFFFFFFF  }
0x45: {  	vm13 =	vlt.s32 v11, $0x3F;
	vm0 =	vmand vm0, vm12  }
0x46: {  	v11 =	vnsel vm13, $0x3F, v11;
	v60 =	vsel vm0, v3, v2  }
0x47: {  	v11 =	vnsel vm0, $0xFFFFFFFF, v11;
	(xrf1) =	vsort.ascd.msk.u32 $0xffff, v60, v0  }
0x48: {  	(xrf1) =	vunique.msk.u32 vm0, v11;
	_ =	sdelay $0xc  }
0x49: {  	_, v12, _ =	vpop (xrf1)  }
0x4a: {  	_, v61, vm14 =	vpop (xrf1)  }
0x4b: {  	vm1 =	vmand vm0, vm14;
	_ =	sdelay $0x4  }
0x4c: {  	v62 =	vld [tilespmem:s22+$0x2000]  }
0x4d: {  	[tilespmem:v11+s15+$0x0] =	vst.idx.add.s32.msk vm1, v61  }
0x4e: {  	v13 =	vld [tilespmem:$0x5280]  }
0x4f: {  	v15 =	vld [tilespmem:$0x5200];
	_ =	sdelay $0x3  }
0x50: {  	vm15 =	vgt.s32 v13, $0xFFFFFFFF  }
0x51: {  	v13 =	vadd.s32 v13, v15;
	_ =	sdelay $0x1  }
0x52: {  	p1 =	sne.s32 s21, $0x3FC0  }
.Ltmp4:
0x53: {  	v11 =	vperm.xlane v11, v12;
	(pc) =	sbr.rel @p1 .LBB2_3-.Ltmp4, $4  }
0x54: {  	v63 =	vmpcnt.ones.xlane vm0;
	v12 =	vperm.xlane v62, v12  }
0x55: {  	[tilespmem:v13+s16+$0x0] =	vst.idx.msk vm15, v11  }
0x56: {  	v11 =	vadd.s32 v15, v63;
	[tilespmem:v13+s17+$0x0] =	vst.idx.msk vm15, v12  }
0x57: {  	s21 =	sadd.s32 $0x40, s21;
	[tilespmem:$0x5200] =	vst v11  }
0x58: {  	v9 =	vld [tilespmem:$0x5280];
	_ =	sdelay $0x3  }
0x59: {  	v10 =	vxor.u32 $0x80000000, v11  }
0x5a: {  	(xrf0) =	vmax.scan.msk.u32 $0xffff, v10;
	vm0 =	vgt.s32 v9, $0xFFFFFFFF  }
0x5b: {  	v9 =	vadd.s32 v11, v9;
	_ =	sdelay $0x4  }
0x5c: {  	[tilespmem:v9+s16+$0x0] =	vst.idx.msk vm0, v4;
	v9, _, _ =	vpop (xrf0)  }
0x5d: {  	(v2sf) =	vpush v9, $0xF;
	v9 =	vld [tilespmem:$0x5330]  }
0x5e: {  	v10 =	vld [tilespmem:$0x5320]  }
0x5f: {  	v11 =	vld [tilespmem:$0x5310]  }
0x60: {  	v12 =	vld [tilespmem:$0x5300];
	_ =	sdelay $0x1  }
0x61: {  	v9 =	vperm.xlane v9, v5  }
0x62: {  	v10 =	vperm.xlane v10, v5  }
0x63: {  	(xrf0) =	vadd.scan.msk.s32 $0xffff, v9;
	v9 =	vperm.xlane v11, v5  }
0x64: {  	(xrf0) =	vadd.scan.msk.s32 $0xffff, v10;
	v10 =	vperm.xlane v12, v5  }
0x65: {  	(xrf0) =	vadd.scan.msk.s32 $0xffff, v9  }
0x66: {  	(xrf0) =	vadd.scan.msk.s32 $0xffff, v10;
	_ =	sdelay $0x2  }
0x67: {  	v9, _, _ =	vpop (xrf0)  }
0x68: {  	v11, _, _ =	vpop (xrf0)  }
0x69: {  	v10 =	vperm.xlane v9, v6;
	v14, _, _ =	vpop (xrf0);
	s21 =	spop (v2sf);
	v12 =	vperm.xlane v11, v6  }
0x6a: {  	s21 =	sadd.s32 $0x8000000F, s21;
	v13 =	vperm.xlane v14, v6;
	v15, _, _ =	vpop (xrf0)  }
0x6b: {  	s22 =	sand.u32 $0xF, s21;
	v12 =	vadd.s32 v10, v12;
	v15 =	vperm.xlane v15, v5  }
0x6c: {  	s31 =	sshra.s32 s21, $0x1F;
	p2 =	slt.s32 s21, $0x1;
	p1 =	sne.s32 s22, $0x0;
	v13 =	vadd.s32 v12, v13  }
.Ltmp5:
0x6d: {  	s22 =	sshrl.u32 s31, $0x1C;
	p1 =	por !p2, !p1;
	v13 =	vadd.s32 v15, v13;
	(pc) =	sbr.rel .LBB2_5-.Ltmp5, $4  }
0x6e: {  	s21 =	sadd.s32 s22, s21;
	s22 =	simm.s32 $0x1;
	p1 =	por !p1, !p1;
	v15 =	vadd.s32 $0xFFFFFFFF, v13  }
0x6f: {  	v18 =	vimm.f32 $0.0e+00;
	v9 =	vperm.xlane v9, v5;
	s21 =	sshra.s32 s21, $0x4;
	s22 =	simm.s32 @!p1 $0x0;
	v15 =	vshra.s32 v15, $0x1  }
0x70: {  	v11 =	vperm.xlane v11, v5;
	s21 =	ssub.s32 s21, s22;
	v16 =	vadd.s32 $0x1, v15;
	v15 =	vshra.s32 v13, $0x1  }
0x71: {  	v14 =	vperm.xlane v14, v5;
	s22 =	simm.s32 $0x0;
	v17 =	vadd.s32 $0x1, v15;
	p1 =	slt.s32 s21, $0x1;
	v15 =	vimm.f32 $0.0e+00  }
.LBB2_7:
0x72: {  	v25 =	vimm.f32 $0.0e+00;
	v24 =	vimm.s32 $0x0;
	s24 =	simm.s32 $0x4100  }
.LBB2_15:
0x73: {  	vm6 =	vmand @p3 vm5, vm6;
	v28 =	vmpcnt.ones.xlane @p3 vm5;
	s24 =	sadd.s32 @p3 $0x10, s24;
	s25 =	simm.s32 $0x4100  }
0x74: {  	vm7 =	vmand @p3 vm5, vm7;
	v61 =	vsel vm0, $0x1, v1;
	v25 =	vadd.f32 @p4 v27, v25;
	s25 =	smov.u32 @p3 s24  }
0x75: {  	v29 =	vsel @p3 vm6, $0x3F000000, v7;
	v30 =	vsel @p3 vm7, $0x3F000000, v7;
	v24 =	vadd.s32 @p3 v24, v28;
	v28 =	vld @p2 [tilespmem:s25+$0x0]  }
0x76: {  	vm2 =	vmmov @p2 vm2;
	v27, _, _ =	vpop @p2 (xrf0);
	(xrf0) =	vadd.scan.msk.s32 $0xffff, v61;
	v29 =	vadd.f32 @p3 v30, v29;
	v24 =	vpsel p3, v24, v22  }
0x77: {  	vm13 =	vmmov vm0;
	vm1 =	vmmov @p2 vm2;
	v27 =	vadd.s32 @p2 v24, v27  }
0x78: {  	v25 =	vpsel p4, v25, v18;
	v26 =	vmul.f32 @p3 v29, v26;
	vm5 =	veq.s32 @p2 v27, v20  }
0x79: {  	vm6 =	veq.s32 @p2 v27, v21;
	v27 =	vmpcnt.ones.xlane @p2 vm1;
	vm3 =	vmmov @p2 vm5  }
0x7a: {  	vm4 =	vmmov @p2 vm6;
	v26 =	vpsel p3, v26, v0;
	v23 =	vpsel p2, v28, v23  }
0x7b: {  	vm2 =	vmand @p2 vm1, vm3;
	vm1 =	vmand @p2 vm1, vm4;
	v24 =	vadd.s32 @p2 v24, v27  }
0x7c: {  	s24 =	sadd.s32 @p2 $0x10, s25;
	v62, _, _ =	vpop (xrf0);
	v27 =	vsel @p2 vm2, $0x3F000000, v7;
	v28 =	vsel @p2 vm1, $0x3F000000, v7;
	v22 =	vpsel p2, v24, v22  }
0x7d: {  	s23 =	smov.u32 @p2 s24;
	v24 =	vadd.f32 @p3 v26, v25;
	v25 =	vadd.f32 @p2 v28, v27;
	v22 =	vadd.s32 v22, v62  }
0x7e: {  	vm0 =	vmmov vm13;
	v63 =	vld [tilespmem:s23+$0x0];
	vm14 =	veq.s32 v22, v20;
	vm15 =	veq.s32 v22, v21  }
0x7f: {  	v20 =	vmul.f32 @p2 v25, v23;
	vm1 =	vmand vm0, vm14;
	vm0 =	vmand vm0, vm15  }
0x80: {  	v21 =	vsel vm1, $0x3F000000, v7;
	v22 =	vsel vm0, $0x3F000000, v7  }
0x81: {  	v23 =	vpsel p3, v24, v18;
	v20 =	vpsel p2, v20, v0;
	v21 =	vadd.f32 v22, v21  }
0x82: {  	v20 =	vadd.f32 @p2 v20, v23  }
0x83: {  	v21 =	vmul.f32 v21, v63  }
0x84: {  	v20 =	vpsel p2, v20, v18  }
0x85: {  	v20 =	vadd.f32 v21, v20  }
.LBB2_16:
0x86: {  	_ = 	snop  }
0x87: {  	(xrf2) =	vadd.scan.msk.f32 $0xffff, v20;
	_ =	sdelay $0x9  }
0x88: {  	v20, _, _ =	vpop (xrf2)  }
0x89: {  	v20 =	vadd.f32 $3.200000000e+01, v20  }
0x8a: {  	s22 =	sadd.s32 $0x1, s22  }
0x8b: {  	p2 =	sne.s32 s22, $0x10;
	v20 =	vmul.f32 $1.562500000e-02, v20  }
.Ltmp6:
0x8c: {  	v21 =	vperm.xlane v13, v19;
	(pc) =	sbr.rel @!p2 .LBB2_17-.Ltmp6, $4  }
0x8d: {  	v20 =	vbroadcast v20, $0xF  }
0x8e: {  	vm0 =	vgt.s32 v21, $0x0  }
0x8f: {  	vm15 =	veq.s32 v19, v0;
	v20 =	vnsel vm0, $0x0, v20  }
0x90: {  	v15 =	vsel vm15, v20, v15  }
.LBB2_5:
.Ltmp7:
0x91: {  	(pc) =	sbr.rel @p1 .LBB2_16-.Ltmp7, $2  }
0x92: {  	_ =	sdelay $0x2  }
0x93: {  	v19 =	vmov s22;
	v20 =	vimm.f32 $0.0e+00  }
0x94: {  	s23 =	simm.s32 $0x3080  }
0x95: {  	p5 =	sne.s32 s21, $0x1;
	v23 =	vld [tilespmem:s23+$0x0]  }
.Ltmp8:
0x96: {  	_ = 	snop;
	(pc) =	sbr.rel @!p5 .LBB2_7-.Ltmp8, $3  }
0x97: {  	_ =	sdelay $0x1  }
0x98: {  	v20 =	vperm.xlane v16, v19;
	s24 =	sadd.s32 $0xFFFFFFFF, s21;
	s25 =	simm.s32 $0x3090;
	p2 =	por $0x0, $0x0  }
0x99: {  	v21 =	vperm.xlane v17, v19;
	v22 =	vimm.s32 $0x0;
	p3 =	por $0x0, $0x0;
	p4 =	por $0x0, $0x0;
	s23 =	simm.s32 $0x4100;
	vm0 =	vge.s32 v23, v19  }
0x9a: {  	v23 =	vld [tilespmem:s25+$0x0];
	p5 =	sne.s32 s24, $0x1  }
.Ltmp9:
0x9b: {  	_ = 	snop;
	(pc) =	sbr.rel @!p5 .LBB2_9-.Ltmp9, $3  }
0x9c: {  	v24 =	vsel vm0, $0x1, v1  }
0x9d: {  	(xrf0) =	vadd.scan.msk.s32 $0xffff, v24;
	_ =	sdelay $0x1  }
0x9e: {  	vm2 =	vmmov vm0;
	s24 =	sadd.s32 $0xFFFFFFFF, s24;
	s25 =	simm.s32 $0x30A0;
	p2 =	por $0x1, $0x1;
	vm0 =	vge.s32 v23, v19  }
0x9f: {  	v23 =	vld [tilespmem:s25+$0x0];
	p5 =	sne.s32 s24, $0x1  }
.Ltmp10:
0xa0: {  	_ = 	snop;
	(pc) =	sbr.rel @!p5 .LBB2_11-.Ltmp10, $4  }
0xa1: {  	v25 =	vsel vm0, $0x1, v1  }
0xa2: {  	v24, _, _ =	vpop (xrf0);
	(xrf0) =	vadd.scan.msk.s32 $0xffff, v25  }
0xa3: {  	vm1 =	vmmov vm2;
	vm2 =	vmmov vm0;
	v24 =	vadd.s32 v22, v24  }
0xa4: {  	s25 =	sadd.s32 $0xFFFFFFFF, s24;
	s24 =	simm.s32 $0x30B0;
	p3 =	por $0x1, $0x1;
	vm0 =	vge.s32 v23, v19;
	v23 =	vld [tilespmem:s23+$0x0];
	vm3 =	veq.s32 v24, v20;
	vm4 =	veq.s32 v24, v21  }
0xa5: {  	v25 =	vld [tilespmem:s24+$0x0]  }
0xa6: {  	vm5 =	vmand vm1, vm3;
	vm6 =	vmand vm1, vm4;
	p5 =	sne.s32 s25, $0x1  }
.Ltmp11:
0xa7: {  	v27 =	vmpcnt.ones.xlane vm1;
	v24 =	vsel vm5, $0x3F000000, v7;
	v26 =	vsel vm6, $0x3F000000, v7;
	(pc) =	sbr.rel @!p5 .LBB2_13-.Ltmp11, $4  }
0xa8: {  	v28 =	vsel vm0, $0x1, v1;
	v26 =	vadd.f32 v26, v24  }
0xa9: {  	vm5 =	vmmov vm2;
	vm2 =	vmmov vm0;
	v24 =	vadd.s32 v22, v27;
	v29, _, _ =	vpop (xrf0);
	(xrf0) =	vadd.scan.msk.s32 $0xffff, v28  }
0xaa: {  	s24 =	simm.s32 $0x4110;
	v29 =	vadd.s32 v24, v29;
	v27 =	vmul.f32 v26, v23;
	vm0 =	vge.s32 v25, v19  }
0xab: {  	s25 =	sadd.s32 $0xFFFFFFFF, s25;
	s26 =	simm.s32 $0x30C0;
	p4 =	por $0x1, $0x1;
	v26 =	vld [tilespmem:s24+$0x0];
	vm6 =	veq.s32 v29, v20;
	vm7 =	veq.s32 v29, v21;
	v25 =	vimm.f32 $0.0e+00  }
.LBB2_14:
0xac: {  	v28 =	vld [tilespmem:s26+$0x0];
	vm6 =	vmand vm5, vm6;
	vm7 =	vmand vm5, vm7;
	v25 =	vadd.f32 v27, v25;
	p5 =	sne.s32 s25, $0x1  }
.Ltmp12:
0xad: {  	v30 =	vmpcnt.ones.xlane vm5;
	v27 =	vsel vm6, $0x3F000000, v7;
	v32 =	vsel vm7, $0x3F000000, v7;
	(pc) =	sbr.rel @p5 .LBB2_14-.Ltmp12, $4  }
0xae: {  	s25 =	sadd.s32 $0xFFFFFFFF, s25;
	v31 =	vsel vm0, $0x1, v1;
	vm5 =	vmmov vm2;
	v27 =	vadd.f32 v32, v27  }
0xaf: {  	vm2 =	vmmov vm0;
	v24 =	vadd.s32 v24, v30;
	(xrf0) =	vadd.scan.msk.s32 $0xffff, v31;
	v29, _, _ =	vpop (xrf0)  }
0xb0: {  	s24 =	sadd.s32 $0x10, s24;
	v29 =	vadd.s32 v24, v29;
	v27 =	vmul.f32 v27, v26  }
0xb1: {  	s26 =	sadd.s32 $0x10, s26;
	vm0 =	vge.s32 v28, v19;
	v26 =	vld [tilespmem:s24+$0x0];
	vm6 =	veq.s32 v29, v20;
	vm7 =	veq.s32 v29, v21  }
.Ltmp13:
0xb2: {  	_ = 	snop;
	(pc) =	sbr.rel .LBB2_15-.Ltmp13, $1  }
0xb3: {  	_ =	sdelay $0x3  }
.LBB2_9:
.Ltmp14:
0xb4: {  	(pc) =	sbr.rel .LBB2_15-.Ltmp14, $2  }
0xb5: {  	_ =	sdelay $0x2  }
0xb6: {  	v25 =	vimm.f32 $0.0e+00;
	v24 =	vimm.s32 $0x0;
	s24 =	simm.s32 $0x4100  }
.LBB2_11:
.Ltmp15:
0xb7: {  	_ = 	snop;
	(pc) =	sbr.rel .LBB2_15-.Ltmp15, $3  }
0xb8: {  	_ =	sdelay $0x1  }
0xb9: {  	vm5 =	vmmov vm1;
	vm6 =	vmmov vm3  }
0xba: {  	vm7 =	vmmov vm4;
	v25 =	vimm.f32 $0.0e+00;
	v24 =	vimm.s32 $0x0;
	s24 =	simm.s32 $0x4100;
	v26 =	vmovc v23  }
.LBB2_13:
.Ltmp16:
0xbb: {  	(pc) =	sbr.rel .LBB2_15-.Ltmp16, $2  }
0xbc: {  	_ =	sdelay $0x2  }
0xbd: {  	v25 =	vimm.f32 $0.0e+00  }
.LBB2_17:
.Ltmp17:
0xbe: {  	v12 =	vadd.s32 v12, v14;
	(pc) =	sbr.rel .LBB2_18-.Ltmp17, $4  }
0xbf: {  	v13 =	vadd.s32 $0xFFFFFFFF, v12  }
0xc0: {  	v13 =	vshra.s32 v13, $0x1  }
0xc1: {  	v14 =	vadd.s32 $0x1, v13;
	v13 =	vshra.s32 v12, $0x1  }
0xc2: {  	[tilespmem:$0x5180] =	vst v15;
	s22 =	simm.s32 $0x0;
	v16 =	vimm.f32 $0.0e+00;
	v15 =	vadd.s32 $0x1, v13;
	v13 =	vimm.f32 $0.0e+00  }
.LBB2_20:
0xc3: {  	v24 =	vimm.f32 $0.0e+00;
	v23 =	vimm.s32 $0x0;
	s24 =	simm.s32 $0x4100  }
.LBB2_28:
0xc4: {  	vm6 =	vmand @p3 vm5, vm6;
	v22 =	vmpcnt.ones.xlane @p3 vm5;
	s24 =	sadd.s32 @p3 $0x10, s24;
	s25 =	simm.s32 $0x4100  }
0xc5: {  	vm7 =	vmand @p3 vm5, vm7;
	v61 =	vsel vm0, $0x1, v1;
	v24 =	vadd.f32 @p4 v26, v24;
	s25 =	smov.u32 @p3 s24  }
0xc6: {  	v27 =	vsel @p3 vm6, $0x3F000000, v7;
	v28 =	vsel @p3 vm7, $0x3F000000, v7;
	v22 =	vadd.s32 @p3 v23, v22;
	v23 =	vld @p2 [tilespmem:s25+$0x0]  }
0xc7: {  	vm2 =	vmmov @p2 vm2;
	vm13 =	vmmov vm0;
	(xrf0) =	vadd.scan.msk.s32 $0xffff, v61;
	v27 =	vadd.f32 @p3 v28, v27  }
0xc8: {  	v26, _, _ =	vpop @p2 (xrf0);
	vm1 =	vmmov @p2 vm2;
	vm0 =	vmmov vm13;
	v22 =	vpsel p3, v22, v20  }
0xc9: {  	v24 =	vpsel p4, v24, v16;
	v26 =	vadd.s32 @p2 v22, v26;
	v25 =	vmul.f32 @p3 v27, v25  }
0xca: {  	vm5 =	veq.s32 @p2 v26, v18;
	vm6 =	veq.s32 @p2 v26, v19;
	v26 =	vmpcnt.ones.xlane @p2 vm1  }
0xcb: {  	vm3 =	vmmov @p2 vm5;
	vm4 =	vmmov @p2 vm6;
	v21 =	vpsel p2, v23, v21  }
0xcc: {  	vm2 =	vmand @p2 vm1, vm3;
	vm1 =	vmand @p2 vm1, vm4;
	v22 =	vadd.s32 @p2 v22, v26  }
0xcd: {  	s24 =	sadd.s32 @p2 $0x10, s25;
	v62, _, _ =	vpop (xrf0);
	v23 =	vsel @p2 vm2, $0x3F000000, v7;
	v26 =	vsel @p2 vm1, $0x3F000000, v7;
	v20 =	vpsel p2, v22, v20  }
0xce: {  	s23 =	smov.u32 @p2 s24;
	v25 =	vpsel p3, v25, v0;
	v23 =	vadd.f32 @p2 v26, v23;
	v20 =	vadd.s32 v20, v62  }
0xcf: {  	v63 =	vld [tilespmem:s23+$0x0];
	v22 =	vadd.f32 @p3 v25, v24;
	vm14 =	veq.s32 v20, v18;
	vm15 =	veq.s32 v20, v19  }
0xd0: {  	v18 =	vmul.f32 @p2 v23, v21;
	vm1 =	vmand vm0, vm14;
	vm0 =	vmand vm0, vm15  }
0xd1: {  	v19 =	vsel vm1, $0x3F000000, v7;
	v20 =	vsel vm0, $0x3F000000, v7  }
0xd2: {  	v21 =	vpsel p3, v22, v16;
	v18 =	vpsel p2, v18, v0;
	v19 =	vadd.f32 v20, v19  }
0xd3: {  	v18 =	vadd.f32 @p2 v18, v21  }
0xd4: {  	v19 =	vmul.f32 v19, v63  }
0xd5: {  	v18 =	vpsel p2, v18, v16  }
0xd6: {  	v18 =	vadd.f32 v19, v18  }
.LBB2_29:
0xd7: {  	_ = 	snop  }
0xd8: {  	(xrf2) =	vadd.scan.msk.f32 $0xffff, v18;
	_ =	sdelay $0x9  }
0xd9: {  	v18, _, _ =	vpop (xrf2)  }
0xda: {  	v18 =	vadd.f32 $3.200000000e+01, v18  }
0xdb: {  	s22 =	sadd.s32 $0x1, s22  }
0xdc: {  	p2 =	sne.s32 s22, $0x10;
	v18 =	vmul.f32 $1.562500000e-02, v18  }
.Ltmp18:
0xdd: {  	v19 =	vperm.xlane v12, v17;
	(pc) =	sbr.rel @!p2 .LBB2_30-.Ltmp18, $4  }
0xde: {  	v18 =	vbroadcast v18, $0xF  }
0xdf: {  	vm0 =	vgt.s32 v19, $0x0  }
0xe0: {  	vm15 =	veq.s32 v17, v0;
	v18 =	vnsel vm0, $0x0, v18  }
0xe1: {  	v13 =	vsel vm15, v18, v13  }
.LBB2_18:
.Ltmp19:
0xe2: {  	(pc) =	sbr.rel @p1 .LBB2_29-.Ltmp19, $2  }
0xe3: {  	_ =	sdelay $0x2  }
0xe4: {  	v17 =	vmov s22;
	v18 =	vimm.f32 $0.0e+00  }
0xe5: {  	s23 =	simm.s32 $0x3080  }
0xe6: {  	p5 =	sne.s32 s21, $0x1;
	v21 =	vld [tilespmem:s23+$0x0]  }
.Ltmp20:
0xe7: {  	_ = 	snop;
	(pc) =	sbr.rel @!p5 .LBB2_20-.Ltmp20, $4  }
0xe8: {  	_ = 	snop  }
0xe9: {  	s24 =	sor.u32 $0x10, s22  }
0xea: {  	v18 =	vperm.xlane v14, v17;
	s25 =	simm.s32 $0x3090;
	p2 =	por $0x0, $0x0;
	p3 =	por $0x0, $0x0;
	v22 =	vmov s24  }
0xeb: {  	v19 =	vperm.xlane v15, v17;
	v20 =	vimm.s32 $0x0;
	p4 =	por $0x0, $0x0;
	s23 =	simm.s32 $0x4100;
	s24 =	sadd.s32 $0xFFFFFFFF, s21;
	vm0 =	vge.s32 v21, v22  }
0xec: {  	v21 =	vld [tilespmem:s25+$0x0];
	p5 =	sne.s32 s24, $0x1  }
.Ltmp21:
0xed: {  	_ = 	snop;
	(pc) =	sbr.rel @!p5 .LBB2_22-.Ltmp21, $4  }
0xee: {  	_ = 	snop  }
0xef: {  	v23 =	vsel vm0, $0x1, v1  }
0xf0: {  	(xrf0) =	vadd.scan.msk.s32 $0xffff, v23  }
0xf1: {  	vm2 =	vmmov vm0;
	s24 =	sadd.s32 $0xFFFFFFFF, s24;
	s25 =	simm.s32 $0x30A0;
	p2 =	por $0x1, $0x1;
	vm0 =	vge.s32 v21, v22  }
0xf2: {  	_ = 	snop  }
0xf3: {  	v21 =	vld [tilespmem:s25+$0x0];
	p5 =	sne.s32 s24, $0x1  }
.Ltmp22:
0xf4: {  	_ = 	snop;
	(pc) =	sbr.rel @!p5 .LBB2_24-.Ltmp22, $4  }
0xf5: {  	_ = 	snop  }
0xf6: {  	v24 =	vsel vm0, $0x1, v1;
	v23, _, _ =	vpop (xrf0)  }
0xf7: {  	vm1 =	vmmov vm2;
	vm2 =	vmmov vm0;
	(xrf0) =	vadd.scan.msk.s32 $0xffff, v24;
	v23 =	vadd.s32 v20, v23  }
0xf8: {  	s25 =	sadd.s32 $0xFFFFFFFF, s24;
	s24 =	simm.s32 $0x30B0;
	p3 =	por $0x1, $0x1;
	vm0 =	vge.s32 v21, v22;
	v21 =	vld [tilespmem:s23+$0x0];
	vm3 =	veq.s32 v23, v18;
	vm4 =	veq.s32 v23, v19  }
0xf9: {  	v24 =	vld [tilespmem:s24+$0x0]  }
0xfa: {  	vm5 =	vmand vm1, vm3;
	vm6 =	vmand vm1, vm4;
	p5 =	sne.s32 s25, $0x1  }
.Ltmp23:
0xfb: {  	v26 =	vmpcnt.ones.xlane vm1;
	v23 =	vsel vm5, $0x3F000000, v7;
	v25 =	vsel vm6, $0x3F000000, v7;
	(pc) =	sbr.rel @!p5 .LBB2_26-.Ltmp23, $4  }
0xfc: {  	v27 =	vsel vm0, $0x1, v1;
	v25 =	vadd.f32 v25, v23  }
0xfd: {  	vm5 =	vmmov vm2;
	vm2 =	vmmov vm0;
	v23 =	vadd.s32 v20, v26;
	v28, _, _ =	vpop (xrf0);
	(xrf0) =	vadd.scan.msk.s32 $0xffff, v27  }
0xfe: {  	s24 =	simm.s32 $0x4110;
	v26 =	vmul.f32 v25, v21;
	v28 =	vadd.s32 v23, v28;
	vm0 =	vge.s32 v24, v22  }
0xff: {  	s25 =	sadd.s32 $0xFFFFFFFF, s25;
	s26 =	simm.s32 $0x30C0;
	p4 =	por $0x1, $0x1;
	v25 =	vld [tilespmem:s24+$0x0];
	v24 =	vimm.f32 $0.0e+00;
	vm6 =	veq.s32 v28, v18;
	vm7 =	veq.s32 v28, v19  }
.LBB2_27:
0x100: {  	v27 =	vld [tilespmem:s26+$0x0];
	vm6 =	vmand vm5, vm6;
	vm7 =	vmand vm5, vm7;
	v24 =	vadd.f32 v26, v24;
	p5 =	sne.s32 s25, $0x1  }
.Ltmp24:
0x101: {  	v29 =	vmpcnt.ones.xlane vm5;
	v26 =	vsel vm6, $0x3F000000, v7;
	v31 =	vsel vm7, $0x3F000000, v7;
	(pc) =	sbr.rel @p5 .LBB2_27-.Ltmp24, $4  }
0x102: {  	s25 =	sadd.s32 $0xFFFFFFFF, s25;
	v30 =	vsel vm0, $0x1, v1;
	vm5 =	vmmov vm2;
	v26 =	vadd.f32 v31, v26  }
0x103: {  	vm2 =	vmmov vm0;
	v23 =	vadd.s32 v23, v29;
	(xrf0) =	vadd.scan.msk.s32 $0xffff, v30;
	v28, _, _ =	vpop (xrf0)  }
0x104: {  	s24 =	sadd.s32 $0x10, s24;
	v28 =	vadd.s32 v23, v28;
	v26 =	vmul.f32 v26, v25  }
0x105: {  	s26 =	sadd.s32 $0x10, s26;
	vm0 =	vge.s32 v27, v22;
	v25 =	vld [tilespmem:s24+$0x0];
	vm6 =	veq.s32 v28, v18;
	vm7 =	veq.s32 v28, v19  }
.Ltmp25:
0x106: {  	_ = 	snop;
	(pc) =	sbr.rel .LBB2_28-.Ltmp25, $1  }
0x107: {  	_ =	sdelay $0x3  }
.LBB2_22:
.Ltmp26:
0x108: {  	(pc) =	sbr.rel .LBB2_28-.Ltmp26, $2  }
0x109: {  	_ =	sdelay $0x2  }
0x10a: {  	v24 =	vimm.f32 $0.0e+00;
	v23 =	vimm.s32 $0x0;
	s24 =	simm.s32 $0x4100  }
.LBB2_24:
.Ltmp27:
0x10b: {  	_ = 	snop;
	(pc) =	sbr.rel .LBB2_28-.Ltmp27, $3  }
0x10c: {  	_ =	sdelay $0x1  }
0x10d: {  	vm5 =	vmmov vm1;
	vm6 =	vmmov vm3  }
0x10e: {  	vm7 =	vmmov vm4;
	v24 =	vimm.f32 $0.0e+00;
	v23 =	vimm.s32 $0x0;
	s24 =	simm.s32 $0x4100;
	v25 =	vmovc v21  }
.LBB2_26:
.Ltmp28:
0x10f: {  	(pc) =	sbr.rel .LBB2_28-.Ltmp28, $2  }
0x110: {  	_ =	sdelay $0x2  }
0x111: {  	v24 =	vimm.f32 $0.0e+00  }
.LBB2_30:
.Ltmp29:
0x112: {  	(pc) =	sbr.rel .LBB2_31-.Ltmp29, $4  }
0x113: {  	v10 =	vadd.s32 v10, v11  }
0x114: {  	v11 =	vadd.s32 $0xFFFFFFFF, v10  }
0x115: {  	v14 =	vimm.f32 $0.0e+00;
	v12 =	vshra.s32 v10, $0x1;
	v11 =	vshra.s32 v11, $0x1  }
0x116: {  	[tilespmem:$0x5190] =	vst v13;
	s22 =	simm.s32 $0x0;
	v13 =	vadd.s32 $0x1, v12;
	v12 =	vimm.f32 $0.0e+00;
	v11 =	vadd.s32 $0x1, v11  }
.LBB2_33:
0x117: {  	v22 =	vimm.f32 $0.0e+00;
	v21 =	vimm.s32 $0x0;
	s24 =	simm.s32 $0x4100  }
.LBB2_41:
0x118: {  	vm6 =	vmand @p3 vm5, vm6;
	v20 =	vmpcnt.ones.xlane @p3 vm5;
	s24 =	sadd.s32 @p3 $0x10, s24;
	s25 =	simm.s32 $0x4100  }
0x119: {  	vm7 =	vmand @p3 vm5, vm7;
	v61 =	vsel vm0, $0x1, v1;
	v22 =	vadd.f32 @p4 v24, v22;
	s25 =	smov.u32 @p3 s24  }
0x11a: {  	v25 =	vsel @p3 vm6, $0x3F000000, v7;
	v26 =	vsel @p3 vm7, $0x3F000000, v7;
	v20 =	vadd.s32 @p3 v21, v20;
	v21 =	vld @p2 [tilespmem:s25+$0x0]  }
0x11b: {  	vm2 =	vmmov @p2 vm2;
	vm13 =	vmmov vm0;
	(xrf0) =	vadd.scan.msk.s32 $0xffff, v61;
	v25 =	vadd.f32 @p3 v26, v25  }
0x11c: {  	v24, _, _ =	vpop @p2 (xrf0);
	vm1 =	vmmov @p2 vm2;
	vm0 =	vmmov vm13;
	v20 =	vpsel p3, v20, v18  }
0x11d: {  	v22 =	vpsel p4, v22, v14;
	v24 =	vadd.s32 @p2 v20, v24;
	v23 =	vmul.f32 @p3 v25, v23  }
0x11e: {  	vm5 =	veq.s32 @p2 v24, v16;
	vm6 =	veq.s32 @p2 v24, v17;
	v24 =	vmpcnt.ones.xlane @p2 vm1  }
0x11f: {  	vm3 =	vmmov @p2 vm5;
	vm4 =	vmmov @p2 vm6;
	v19 =	vpsel p2, v21, v19  }
0x120: {  	vm2 =	vmand @p2 vm1, vm3;
	vm1 =	vmand @p2 vm1, vm4;
	v20 =	vadd.s32 @p2 v20, v24  }
0x121: {  	s24 =	sadd.s32 @p2 $0x10, s25;
	v62, _, _ =	vpop (xrf0);
	v21 =	vsel @p2 vm2, $0x3F000000, v7;
	v24 =	vsel @p2 vm1, $0x3F000000, v7;
	v18 =	vpsel p2, v20, v18  }
0x122: {  	s23 =	smov.u32 @p2 s24;
	v23 =	vpsel p3, v23, v0;
	v21 =	vadd.f32 @p2 v24, v21;
	v18 =	vadd.s32 v18, v62  }
0x123: {  	v63 =	vld [tilespmem:s23+$0x0];
	v20 =	vadd.f32 @p3 v23, v22;
	vm14 =	veq.s32 v18, v16;
	vm15 =	veq.s32 v18, v17  }
0x124: {  	v16 =	vmul.f32 @p2 v21, v19;
	vm1 =	vmand vm0, vm14;
	vm0 =	vmand vm0, vm15  }
0x125: {  	v17 =	vsel vm1, $0x3F000000, v7;
	v18 =	vsel vm0, $0x3F000000, v7  }
0x126: {  	v19 =	vpsel p3, v20, v14;
	v16 =	vpsel p2, v16, v0;
	v17 =	vadd.f32 v18, v17  }
0x127: {  	v16 =	vadd.f32 @p2 v16, v19  }
0x128: {  	v17 =	vmul.f32 v17, v63  }
0x129: {  	v16 =	vpsel p2, v16, v14  }
0x12a: {  	v16 =	vadd.f32 v17, v16  }
.LBB2_42:
0x12b: {  	_ = 	snop  }
0x12c: {  	(xrf2) =	vadd.scan.msk.f32 $0xffff, v16;
	_ =	sdelay $0x9  }
0x12d: {  	v16, _, _ =	vpop (xrf2)  }
0x12e: {  	v16 =	vadd.f32 $3.200000000e+01, v16  }
0x12f: {  	s22 =	sadd.s32 $0x1, s22  }
0x130: {  	p2 =	sne.s32 s22, $0x10;
	v16 =	vmul.f32 $1.562500000e-02, v16  }
.Ltmp30:
0x131: {  	v17 =	vperm.xlane v10, v15;
	(pc) =	sbr.rel @!p2 .LBB2_43-.Ltmp30, $4  }
0x132: {  	v16 =	vbroadcast v16, $0xF  }
0x133: {  	vm0 =	vgt.s32 v17, $0x0  }
0x134: {  	vm15 =	veq.s32 v15, v0;
	v16 =	vnsel vm0, $0x0, v16  }
0x135: {  	v12 =	vsel vm15, v16, v12  }
.LBB2_31:
.Ltmp31:
0x136: {  	(pc) =	sbr.rel @p1 .LBB2_42-.Ltmp31, $2  }
0x137: {  	_ =	sdelay $0x2  }
0x138: {  	v15 =	vmov s22;
	v16 =	vimm.f32 $0.0e+00  }
0x139: {  	s23 =	simm.s32 $0x3080  }
0x13a: {  	p5 =	sne.s32 s21, $0x1;
	v19 =	vld [tilespmem:s23+$0x0]  }
.Ltmp32:
0x13b: {  	_ = 	snop;
	(pc) =	sbr.rel @!p5 .LBB2_33-.Ltmp32, $4  }
0x13c: {  	_ = 	snop  }
0x13d: {  	s24 =	sor.u32 $0x20, s22  }
0x13e: {  	v16 =	vperm.xlane v11, v15;
	s25 =	simm.s32 $0x3090;
	p2 =	por $0x0, $0x0;
	p3 =	por $0x0, $0x0;
	v20 =	vmov s24  }
0x13f: {  	v17 =	vperm.xlane v13, v15;
	v18 =	vimm.s32 $0x0;
	p4 =	por $0x0, $0x0;
	s23 =	simm.s32 $0x4100;
	s24 =	sadd.s32 $0xFFFFFFFF, s21;
	vm0 =	vge.s32 v19, v20  }
0x140: {  	v19 =	vld [tilespmem:s25+$0x0];
	p5 =	sne.s32 s24, $0x1  }
.Ltmp33:
0x141: {  	_ = 	snop;
	(pc) =	sbr.rel @!p5 .LBB2_35-.Ltmp33, $4  }
0x142: {  	_ = 	snop  }
0x143: {  	v21 =	vsel vm0, $0x1, v1  }
0x144: {  	(xrf0) =	vadd.scan.msk.s32 $0xffff, v21  }
0x145: {  	vm2 =	vmmov vm0;
	s24 =	sadd.s32 $0xFFFFFFFF, s24;
	s25 =	simm.s32 $0x30A0;
	p2 =	por $0x1, $0x1;
	vm0 =	vge.s32 v19, v20  }
0x146: {  	_ = 	snop  }
0x147: {  	v19 =	vld [tilespmem:s25+$0x0];
	p5 =	sne.s32 s24, $0x1  }
.Ltmp34:
0x148: {  	_ = 	snop;
	(pc) =	sbr.rel @!p5 .LBB2_37-.Ltmp34, $4  }
0x149: {  	_ = 	snop  }
0x14a: {  	v22 =	vsel vm0, $0x1, v1;
	v21, _, _ =	vpop (xrf0)  }
0x14b: {  	vm1 =	vmmov vm2;
	vm2 =	vmmov vm0;
	(xrf0) =	vadd.scan.msk.s32 $0xffff, v22;
	v21 =	vadd.s32 v18, v21  }
0x14c: {  	s25 =	sadd.s32 $0xFFFFFFFF, s24;
	s24 =	simm.s32 $0x30B0;
	p3 =	por $0x1, $0x1;
	vm0 =	vge.s32 v19, v20;
	v19 =	vld [tilespmem:s23+$0x0];
	vm3 =	veq.s32 v21, v16;
	vm4 =	veq.s32 v21, v17  }
0x14d: {  	v22 =	vld [tilespmem:s24+$0x0]  }
0x14e: {  	vm5 =	vmand vm1, vm3;
	vm6 =	vmand vm1, vm4;
	p5 =	sne.s32 s25, $0x1  }
.Ltmp35:
0x14f: {  	v24 =	vmpcnt.ones.xlane vm1;
	v21 =	vsel vm5, $0x3F000000, v7;
	v23 =	vsel vm6, $0x3F000000, v7;
	(pc) =	sbr.rel @!p5 .LBB2_39-.Ltmp35, $4  }
0x150: {  	v25 =	vsel vm0, $0x1, v1;
	v23 =	vadd.f32 v23, v21  }
0x151: {  	vm5 =	vmmov vm2;
	vm2 =	vmmov vm0;
	v21 =	vadd.s32 v18, v24;
	v26, _, _ =	vpop (xrf0);
	(xrf0) =	vadd.scan.msk.s32 $0xffff, v25  }
0x152: {  	s24 =	simm.s32 $0x4110;
	v24 =	vmul.f32 v23, v19;
	v26 =	vadd.s32 v21, v26;
	vm0 =	vge.s32 v22, v20  }
0x153: {  	s25 =	sadd.s32 $0xFFFFFFFF, s25;
	s26 =	simm.s32 $0x30C0;
	p4 =	por $0x1, $0x1;
	v23 =	vld [tilespmem:s24+$0x0];
	v22 =	vimm.f32 $0.0e+00;
	vm6 =	veq.s32 v26, v16;
	vm7 =	veq.s32 v26, v17  }
.LBB2_40:
0x154: {  	v25 =	vld [tilespmem:s26+$0x0];
	vm6 =	vmand vm5, vm6;
	vm7 =	vmand vm5, vm7;
	v22 =	vadd.f32 v24, v22;
	p5 =	sne.s32 s25, $0x1  }
.Ltmp36:
0x155: {  	v27 =	vmpcnt.ones.xlane vm5;
	v24 =	vsel vm6, $0x3F000000, v7;
	v29 =	vsel vm7, $0x3F000000, v7;
	(pc) =	sbr.rel @p5 .LBB2_40-.Ltmp36, $4  }
0x156: {  	s25 =	sadd.s32 $0xFFFFFFFF, s25;
	v28 =	vsel vm0, $0x1, v1;
	vm5 =	vmmov vm2;
	v24 =	vadd.f32 v29, v24  }
0x157: {  	vm2 =	vmmov vm0;
	v21 =	vadd.s32 v21, v27;
	(xrf0) =	vadd.scan.msk.s32 $0xffff, v28;
	v26, _, _ =	vpop (xrf0)  }
0x158: {  	s24 =	sadd.s32 $0x10, s24;
	v26 =	vadd.s32 v21, v26;
	v24 =	vmul.f32 v24, v23  }
0x159: {  	s26 =	sadd.s32 $0x10, s26;
	vm0 =	vge.s32 v25, v20;
	v23 =	vld [tilespmem:s24+$0x0];
	vm6 =	veq.s32 v26, v16;
	vm7 =	veq.s32 v26, v17  }
.Ltmp37:
0x15a: {  	_ = 	snop;
	(pc) =	sbr.rel .LBB2_41-.Ltmp37, $1  }
0x15b: {  	_ =	sdelay $0x3  }
.LBB2_35:
.Ltmp38:
0x15c: {  	(pc) =	sbr.rel .LBB2_41-.Ltmp38, $2  }
0x15d: {  	_ =	sdelay $0x2  }
0x15e: {  	v22 =	vimm.f32 $0.0e+00;
	v21 =	vimm.s32 $0x0;
	s24 =	simm.s32 $0x4100  }
.LBB2_37:
.Ltmp39:
0x15f: {  	_ = 	snop;
	(pc) =	sbr.rel .LBB2_41-.Ltmp39, $3  }
0x160: {  	_ =	sdelay $0x1  }
0x161: {  	vm5 =	vmmov vm1;
	vm6 =	vmmov vm3  }
0x162: {  	vm7 =	vmmov vm4;
	v22 =	vimm.f32 $0.0e+00;
	v21 =	vimm.s32 $0x0;
	s24 =	simm.s32 $0x4100;
	v23 =	vmovc v19  }
.LBB2_39:
.Ltmp40:
0x163: {  	(pc) =	sbr.rel .LBB2_41-.Ltmp40, $2  }
0x164: {  	_ =	sdelay $0x2  }
0x165: {  	v22 =	vimm.f32 $0.0e+00  }
.LBB2_43:
.Ltmp41:
0x166: {  	(pc) =	sbr.rel .LBB2_44-.Ltmp41, $4  }
0x167: {  	_ = 	snop  }
0x168: {  	v10 =	vadd.s32 $0xFFFFFFFF, v9  }
0x169: {  	v11 =	vshra.s32 v9, $0x1;
	v13 =	vimm.f32 $0.0e+00;
	v10 =	vshra.s32 v10, $0x1  }
0x16a: {  	[tilespmem:$0x51A0] =	vst v12;
	s22 =	simm.s32 $0x0;
	v12 =	vimm.f32 $0.0e+00;
	v11 =	vadd.s32 $0x1, v11;
	v10 =	vadd.s32 $0x1, v10  }
.LBB2_46:
0x16b: {  	v21 =	vimm.f32 $0.0e+00;
	v20 =	vimm.s32 $0x0;
	s24 =	simm.s32 $0x4100  }
.LBB2_54:
0x16c: {  	vm6 =	vmand @p3 vm5, vm6;
	v19 =	vmpcnt.ones.xlane @p3 vm5;
	s24 =	sadd.s32 @p3 $0x10, s24;
	s25 =	simm.s32 $0x4100  }
0x16d: {  	vm7 =	vmand @p3 vm5, vm7;
	v61 =	vsel vm0, $0x1, v1;
	v21 =	vadd.f32 @p4 v23, v21;
	s25 =	smov.u32 @p3 s24  }
0x16e: {  	v24 =	vsel @p3 vm6, $0x3F000000, v7;
	v25 =	vsel @p3 vm7, $0x3F000000, v7;
	v19 =	vadd.s32 @p3 v20, v19;
	v20 =	vld @p2 [tilespmem:s25+$0x0]  }
0x16f: {  	vm2 =	vmmov @p2 vm2;
	vm13 =	vmmov vm0;
	(xrf0) =	vadd.scan.msk.s32 $0xffff, v61;
	v24 =	vadd.f32 @p3 v25, v24  }
0x170: {  	v23, _, _ =	vpop @p2 (xrf0);
	vm1 =	vmmov @p2 vm2;
	vm0 =	vmmov vm13;
	v19 =	vpsel p3, v19, v17  }
0x171: {  	v21 =	vpsel p4, v21, v13;
	v23 =	vadd.s32 @p2 v19, v23;
	v22 =	vmul.f32 @p3 v24, v22  }
0x172: {  	vm5 =	veq.s32 @p2 v23, v15;
	vm6 =	veq.s32 @p2 v23, v16;
	v23 =	vmpcnt.ones.xlane @p2 vm1  }
0x173: {  	vm3 =	vmmov @p2 vm5;
	vm4 =	vmmov @p2 vm6;
	v18 =	vpsel p2, v20, v18  }
0x174: {  	vm2 =	vmand @p2 vm1, vm3;
	vm1 =	vmand @p2 vm1, vm4;
	v19 =	vadd.s32 @p2 v19, v23  }
0x175: {  	s24 =	sadd.s32 @p2 $0x10, s25;
	v62, _, _ =	vpop (xrf0);
	v20 =	vsel @p2 vm2, $0x3F000000, v7;
	v23 =	vsel @p2 vm1, $0x3F000000, v7;
	v17 =	vpsel p2, v19, v17  }
0x176: {  	s23 =	smov.u32 @p2 s24;
	v22 =	vpsel p3, v22, v0;
	v20 =	vadd.f32 @p2 v23, v20;
	v17 =	vadd.s32 v17, v62  }
0x177: {  	v63 =	vld [tilespmem:s23+$0x0];
	v19 =	vadd.f32 @p3 v22, v21;
	vm14 =	veq.s32 v17, v15;
	vm15 =	veq.s32 v17, v16  }
0x178: {  	v15 =	vmul.f32 @p2 v20, v18;
	vm1 =	vmand vm0, vm14;
	vm0 =	vmand vm0, vm15  }
0x179: {  	v16 =	vsel vm1, $0x3F000000, v7;
	v17 =	vsel vm0, $0x3F000000, v7  }
0x17a: {  	v18 =	vpsel p3, v19, v13;
	v15 =	vpsel p2, v15, v0;
	v16 =	vadd.f32 v17, v16  }
0x17b: {  	v15 =	vadd.f32 @p2 v15, v18  }
0x17c: {  	v16 =	vmul.f32 v16, v63  }
0x17d: {  	v15 =	vpsel p2, v15, v13  }
0x17e: {  	v15 =	vadd.f32 v16, v15  }
.LBB2_55:
0x17f: {  	_ = 	snop  }
0x180: {  	(xrf2) =	vadd.scan.msk.f32 $0xffff, v15;
	_ =	sdelay $0x9  }
0x181: {  	v15, _, _ =	vpop (xrf2)  }
0x182: {  	v15 =	vadd.f32 $3.200000000e+01, v15  }
0x183: {  	s22 =	sadd.s32 $0x1, s22  }
0x184: {  	p2 =	sne.s32 s22, $0x10;
	v15 =	vmul.f32 $1.562500000e-02, v15  }
.Ltmp42:
0x185: {  	v16 =	vperm.xlane v9, v14;
	(pc) =	sbr.rel @!p2 .LBB2_56-.Ltmp42, $4  }
0x186: {  	v15 =	vbroadcast v15, $0xF  }
0x187: {  	vm0 =	vgt.s32 v16, $0x0  }
0x188: {  	vm15 =	veq.s32 v14, v0;
	v15 =	vnsel vm0, $0x0, v15  }
0x189: {  	v12 =	vsel vm15, v15, v12  }
.LBB2_44:
.Ltmp43:
0x18a: {  	(pc) =	sbr.rel @p1 .LBB2_55-.Ltmp43, $2  }
0x18b: {  	_ =	sdelay $0x2  }
0x18c: {  	v14 =	vmov s22;
	v15 =	vimm.f32 $0.0e+00  }
0x18d: {  	s23 =	simm.s32 $0x3080  }
0x18e: {  	p5 =	sne.s32 s21, $0x1;
	v18 =	vld [tilespmem:s23+$0x0]  }
.Ltmp44:
0x18f: {  	_ = 	snop;
	(pc) =	sbr.rel @!p5 .LBB2_46-.Ltmp44, $4  }
0x190: {  	_ = 	snop  }
0x191: {  	s24 =	sor.u32 $0x30, s22  }
0x192: {  	v15 =	vperm.xlane v10, v14;
	s25 =	simm.s32 $0x3090;
	p2 =	por $0x0, $0x0;
	p3 =	por $0x0, $0x0;
	v19 =	vmov s24  }
0x193: {  	v16 =	vperm.xlane v11, v14;
	v17 =	vimm.s32 $0x0;
	p4 =	por $0x0, $0x0;
	s23 =	simm.s32 $0x4100;
	s24 =	sadd.s32 $0xFFFFFFFF, s21;
	vm0 =	vge.s32 v18, v19  }
0x194: {  	v18 =	vld [tilespmem:s25+$0x0];
	p5 =	sne.s32 s24, $0x1  }
.Ltmp45:
0x195: {  	_ = 	snop;
	(pc) =	sbr.rel @!p5 .LBB2_48-.Ltmp45, $4  }
0x196: {  	_ = 	snop  }
0x197: {  	v20 =	vsel vm0, $0x1, v1  }
0x198: {  	(xrf0) =	vadd.scan.msk.s32 $0xffff, v20  }
0x199: {  	vm2 =	vmmov vm0;
	s24 =	sadd.s32 $0xFFFFFFFF, s24;
	s25 =	simm.s32 $0x30A0;
	p2 =	por $0x1, $0x1;
	vm0 =	vge.s32 v18, v19  }
0x19a: {  	_ = 	snop  }
0x19b: {  	v18 =	vld [tilespmem:s25+$0x0];
	p5 =	sne.s32 s24, $0x1  }
.Ltmp46:
0x19c: {  	_ = 	snop;
	(pc) =	sbr.rel @!p5 .LBB2_50-.Ltmp46, $4  }
0x19d: {  	_ = 	snop  }
0x19e: {  	v21 =	vsel vm0, $0x1, v1;
	v20, _, _ =	vpop (xrf0)  }
0x19f: {  	vm1 =	vmmov vm2;
	vm2 =	vmmov vm0;
	(xrf0) =	vadd.scan.msk.s32 $0xffff, v21;
	v20 =	vadd.s32 v17, v20  }
0x1a0: {  	s25 =	sadd.s32 $0xFFFFFFFF, s24;
	s24 =	simm.s32 $0x30B0;
	p3 =	por $0x1, $0x1;
	vm0 =	vge.s32 v18, v19;
	v18 =	vld [tilespmem:s23+$0x0];
	vm3 =	veq.s32 v20, v15;
	vm4 =	veq.s32 v20, v16  }
0x1a1: {  	v21 =	vld [tilespmem:s24+$0x0]  }
0x1a2: {  	vm5 =	vmand vm1, vm3;
	vm6 =	vmand vm1, vm4;
	p5 =	sne.s32 s25, $0x1  }
.Ltmp47:
0x1a3: {  	v23 =	vmpcnt.ones.xlane vm1;
	v20 =	vsel vm5, $0x3F000000, v7;
	v22 =	vsel vm6, $0x3F000000, v7;
	(pc) =	sbr.rel @!p5 .LBB2_52-.Ltmp47, $4  }
0x1a4: {  	v24 =	vsel vm0, $0x1, v1;
	v22 =	vadd.f32 v22, v20  }
0x1a5: {  	vm5 =	vmmov vm2;
	vm2 =	vmmov vm0;
	v20 =	vadd.s32 v17, v23;
	v25, _, _ =	vpop (xrf0);
	(xrf0) =	vadd.scan.msk.s32 $0xffff, v24  }
0x1a6: {  	s24 =	simm.s32 $0x4110;
	v23 =	vmul.f32 v22, v18;
	v25 =	vadd.s32 v20, v25;
	vm0 =	vge.s32 v21, v19  }
0x1a7: {  	s25 =	sadd.s32 $0xFFFFFFFF, s25;
	s26 =	simm.s32 $0x30C0;
	p4 =	por $0x1, $0x1;
	v22 =	vld [tilespmem:s24+$0x0];
	v21 =	vimm.f32 $0.0e+00;
	vm6 =	veq.s32 v25, v15;
	vm7 =	veq.s32 v25, v16  }
.LBB2_53:
0x1a8: {  	v24 =	vld [tilespmem:s26+$0x0];
	vm6 =	vmand vm5, vm6;
	vm7 =	vmand vm5, vm7;
	v21 =	vadd.f32 v23, v21;
	p5 =	sne.s32 s25, $0x1  }
.Ltmp48:
0x1a9: {  	v26 =	vmpcnt.ones.xlane vm5;
	v23 =	vsel vm6, $0x3F000000, v7;
	v28 =	vsel vm7, $0x3F000000, v7;
	(pc) =	sbr.rel @p5 .LBB2_53-.Ltmp48, $4  }
0x1aa: {  	s25 =	sadd.s32 $0xFFFFFFFF, s25;
	v27 =	vsel vm0, $0x1, v1;
	vm5 =	vmmov vm2;
	v23 =	vadd.f32 v28, v23  }
0x1ab: {  	vm2 =	vmmov vm0;
	v20 =	vadd.s32 v20, v26;
	(xrf0) =	vadd.scan.msk.s32 $0xffff, v27;
	v25, _, _ =	vpop (xrf0)  }
0x1ac: {  	s24 =	sadd.s32 $0x10, s24;
	v25 =	vadd.s32 v20, v25;
	v23 =	vmul.f32 v23, v22  }
0x1ad: {  	s26 =	sadd.s32 $0x10, s26;
	vm0 =	vge.s32 v24, v19;
	v22 =	vld [tilespmem:s24+$0x0];
	vm6 =	veq.s32 v25, v15;
	vm7 =	veq.s32 v25, v16  }
.Ltmp49:
0x1ae: {  	_ = 	snop;
	(pc) =	sbr.rel .LBB2_54-.Ltmp49, $1  }
0x1af: {  	_ =	sdelay $0x3  }
.LBB2_48:
.Ltmp50:
0x1b0: {  	(pc) =	sbr.rel .LBB2_54-.Ltmp50, $2  }
0x1b1: {  	_ =	sdelay $0x2  }
0x1b2: {  	v21 =	vimm.f32 $0.0e+00;
	v20 =	vimm.s32 $0x0;
	s24 =	simm.s32 $0x4100  }
.LBB2_50:
.Ltmp51:
0x1b3: {  	_ = 	snop;
	(pc) =	sbr.rel .LBB2_54-.Ltmp51, $3  }
0x1b4: {  	_ =	sdelay $0x1  }
0x1b5: {  	vm5 =	vmmov vm1;
	vm6 =	vmmov vm3  }
0x1b6: {  	vm7 =	vmmov vm4;
	v21 =	vimm.f32 $0.0e+00;
	v20 =	vimm.s32 $0x0;
	s24 =	simm.s32 $0x4100;
	v22 =	vmovc v18  }
.LBB2_52:
.Ltmp52:
0x1b7: {  	(pc) =	sbr.rel .LBB2_54-.Ltmp52, $2  }
0x1b8: {  	_ =	sdelay $0x2  }
0x1b9: {  	v21 =	vimm.f32 $0.0e+00  }
.LBB2_58:
0x1ba: {  	_ =	sfence.sel $0x180000  }
0x1bb: {  	[bflag:$0x0] =	sbarrier.arrive $0xFFFF  }
0x1bc: {  	p0 =	sne.s32 s3, $0x0;
	_ =	strace $0x90000047  }
0x1bd: {  	s0 =	sadd.s32 @!p0 $0x100000, s0;
	[bflag:$0x2] =	sbarrier.arrive $0xFFFF  }
0x1be: {  	[sflag:s0] =	ssyncadd.tile.s32 @!p0 $0x1;
	_ =	shalt  }
.Lfunc_end2:
_tile_overlayer_lowered:
.L_overlay_start_2:
0x1bf: {  	(tag) =	ssettag $0x2  }
0x1c0: {  	s0 =	rddreg [dreg:$0x0];
	s2 =	stileid.u32  }
0x1c1: {  	s1 =	rddreg [dreg:$0x1];
	p0 =	sne.s32 s2, $0x0  }
0x1c2: {  	s3 =	rddreg [dreg:$0x2];
	[bflag:$0x3] =	sbarrier.arrive $0xFFFF;
	s2 =	simm.s32 @!p0 $0x1C01  }
0x1c3: {  	[timem:s3], [sflag:s2] =	dma.local @!p0 [hbm:s0], s1  }
0x1c4: {  	s0 =	simm.s32 @!p0 $0x1  }
0x1c5: {  	_ =	swait.ge @!p0 [sflag:s0], s1  }
0x1c6: {  	s1 =	ssub.s32 @!p0 $0x0, s1;
	[sflag:s0] =	ssyncset.done @!p0 $0x0  }
0x1c7: {  	[sflag:s0] =	ssyncadd.s32 @!p0 s1  }
0x1c8: {  	[bflag:$0x3] =	sbarrier.arrive $0xFFFF  }
0x1c9: {  	_ =	shalt  }

</sc_bundles>
